<compile_context>
chip_gen: v7x
topology: tpu7x:2x2x1
jax: 0.10.2.dev20260603
libtpu: 0.0.44.dev20260713+nightly
codegen_flags: <defaults>
</compile_context>

<pallas_src>
import functools

import jax
import jax.numpy as jnp
from jax import lax
from jax.experimental import pallas as pl
from jax.experimental.pallas import tpu as pltpu
from jax.experimental.pallas import tpu_sc as plsc

N_NODES = 10000
N_EDGES = 320000
D_FEAT = 128

NC = 2
NS = 16
NW = NC * NS
CHUNK = 2048
N_CHUNKS = -(-N_EDGES // CHUNK)
N_FULL = N_CHUNKS - 1
TAIL = N_EDGES - N_FULL * CHUNK
TAIL_WID = N_FULL % NW
SLOTS = -(-N_CHUNKS // NW)
NODES_PAD = 10240
X_ROWS = 320


def _sc_body(x0_hbm, edge_hbm, ax_hbm, ay_hbm, out_hbm,
             x0_v, e0, e1, e2, e3, e4, ax0, ax1, ax2, ax3, ax4,
             ay0, ay1, ay2, ay3, ay4,
             acc_sx, acc_cx, acc_sy, acc_cy,
             sem0, sem1, sem2, sem3, sem4, semx):
    cid = lax.axis_index("c")
    sid = lax.axis_index("s")
    wid = cid * NS + sid
    sems = (sem0, sem1, sem2, sem3, sem4)
    edge_v = (e0, e1, e2, e3, e4)
    ax_v = (ax0, ax1, ax2, ax3, ax4)
    ay_v = (ay0, ay1, ay2, ay3, ay4)

    lanes = lax.iota(jnp.int32, 16)
    zf = jnp.zeros((16,), jnp.float32)
    onef = jnp.full((16,), 1.0, jnp.float32)
    col0 = jnp.zeros((16,), jnp.int32)

    def chunk_copies(k, b):
        gb = (wid + k * NW) * CHUNK
        return (
            pltpu.make_async_copy(edge_hbm.at[:, pl.ds(gb, CHUNK)],
                                  edge_v[b], sems[b]),
            pltpu.make_async_copy(ax_hbm.at[pl.ds(gb, CHUNK)],
                                  ax_v[b], sems[b]),
            pltpu.make_async_copy(ay_hbm.at[pl.ds(gb, CHUNK)],
                                  ay_v[b], sems[b]),
        )

    def issue(k, b):
        @pl.when(wid + k * NW < N_FULL)
        def _():
            for cp in chunk_copies(k, b):
                cp.start()

    def wait(k, b):
        @pl.when(wid + k * NW < N_FULL)
        def _():
            for cp in chunk_copies(k, b):
                cp.wait()

    for kk in range(SLOTS):
        issue(kk, kk)
    xcp = pltpu.make_async_copy(x0_hbm, x0_v.at[pl.ds(0, N_NODES)], semx)
    xcp.start()

    def zero_body(j, carry):
        acc_sx[pl.ds(j * 16, 16)] = zf
        acc_cx[pl.ds(j * 16, 16)] = zf
        acc_sy[pl.ds(j * 16, 16)] = zf
        acc_cy[pl.ds(j * 16, 16)] = zf
        return carry

    lax.fori_loop(0, NODES_PAD // 16, zero_body, 0, unroll=8)
    xcp.wait()

    def edge_group(b, i):
        s = edge_v[b][0, pl.ds(i * 16, 16)]
        d = edge_v[b][1, pl.ds(i * 16, 16)]
        xs = plsc.load_gather(x0_v, [s])
        xd = plsc.load_gather(x0_v, [d])
        a0 = ax_v[b][pl.ds(i * 16, 16)]
        a1 = ay_v[b][pl.ds(i * 16, 16)]
        diff = xd - xs
        m0 = a0 != 0.0
        m1 = a1 != 0.0
        per0 = jnp.where(m0, diff / jnp.where(m0, a0, onef), zf)
        per1 = jnp.where(m1, diff / jnp.where(m1, a1, onef), zf)
        cnt0 = jnp.where(m0, onef, zf)
        cnt1 = jnp.where(m1, onef, zf)
        plsc.addupdate_scatter(acc_sx, [s], per0)
        plsc.addupdate_scatter(acc_cx, [s], cnt0)
        plsc.addupdate_scatter(acc_sy, [s], per1)
        plsc.addupdate_scatter(acc_cy, [s], cnt1)

    for k in range(SLOTS):
        wait(k, k)

        @pl.when(wid + k * NW < N_FULL)
        def _compute():
            def inner(i, c2):
                edge_group(k, i)
                return c2

            lax.fori_loop(0, CHUNK // 16, inner, 0)

    @pl.when(wid == TAIL_WID)
    def _tail():
        gb = N_FULL * CHUNK
        pltpu.sync_copy(edge_hbm.at[:, pl.ds(gb, TAIL)],
                        edge_v[0].at[:, pl.ds(0, TAIL)])
        pltpu.sync_copy(ax_hbm.at[pl.ds(gb, TAIL)],
                        ax_v[0].at[pl.ds(0, TAIL)])
        pltpu.sync_copy(ay_hbm.at[pl.ds(gb, TAIL)],
                        ay_v[0].at[pl.ds(0, TAIL)])

        def inner(i, c2):
            edge_group(0, i)
            return c2

        lax.fori_loop(0, TAIL // 16, inner, 0)

    ob = wid * 4 * NODES_PAD
    outcps = [
        pltpu.make_async_copy(acc, out_hbm.at[pl.ds(ob + j * NODES_PAD,
                                                    NODES_PAD)], semx)
        for j, acc in enumerate((acc_sx, acc_cx, acc_sy, acc_cy))
    ]
    for cp in outcps:
        cp.start()
    for cp in outcps:
        cp.wait()


_sc_partials = functools.partial(
    pl.kernel,
    mesh=plsc.VectorSubcoreMesh(core_axis_name="c", subcore_axis_name="s"),
    compiler_params=pltpu.CompilerParams(needs_layout_passes=False),
    out_type=jax.ShapeDtypeStruct((NW * 4 * NODES_PAD,), jnp.float32),
    scratch_types=[
        pltpu.VMEM((NODES_PAD,), jnp.float32),
    ] + [pltpu.VMEM((2, CHUNK), jnp.int32)] * SLOTS
      + [pltpu.VMEM((CHUNK,), jnp.float32)] * SLOTS
      + [pltpu.VMEM((CHUNK,), jnp.float32)] * SLOTS
      + [
        pltpu.VMEM((NODES_PAD,), jnp.float32),
        pltpu.VMEM((NODES_PAD,), jnp.float32),
        pltpu.VMEM((NODES_PAD,), jnp.float32),
        pltpu.VMEM((NODES_PAD,), jnp.float32),
        pltpu.SemaphoreType.DMA,
        pltpu.SemaphoreType.DMA,
        pltpu.SemaphoreType.DMA,
        pltpu.SemaphoreType.DMA,
        pltpu.SemaphoreType.DMA,
        pltpu.SemaphoreType.DMA,
    ],
)(_sc_body)


def _tc_reduce(parts_ref, out_ref):
    p = parts_ref[...].reshape(NW, 4, NODES_PAD)
    s = jnp.sum(p, axis=0)
    dx = s[0:1, :] / jnp.maximum(s[1:2, :], 1.0)
    dy = s[2:3, :] / jnp.maximum(s[3:4, :], 1.0)
    out_ref[0:1, :] = dx
    out_ref[1:2, :] = dy


def kernel(x, edge_index, edge_attr):
    x0 = x[:, 0]
    ax = edge_attr[:, 0]
    ay = edge_attr[:, 1]
    parts = _sc_partials(x0, edge_index, ax, ay)
    out2 = pl.pallas_call(
        _tc_reduce,
        out_shape=jax.ShapeDtypeStruct((2, NODES_PAD), jnp.float32),
    )(parts)
    return out2[:, :N_NODES].T

# --- scband reference (transcript-rebuilt; emitter-appended) ---
"""Pipeline reference for scband-nabla2-doperator-35407710388661 (READ-ONLY COPY).

The authoritative reference and input builder live on the scoring server;
editing this copy changes nothing except your own understanding.
"""

import jax, jax.numpy as jnp
import numpy as np

N_NODES = 10000
N_EDGES = 320000
D_FEAT = 128
D_EDGE = 4
IDX_NODE = 0  # index_derivative_node
IDX_X = 0     # index_derivative_x
IDX_Y = 1     # index_derivative_y


def setup_inputs(seed: int = 0) -> dict:
    key = jax.random.key(seed)
    k1, k2, k3 = jax.random.split(key, 3)
    x = jax.random.normal(k1, (N_NODES, D_FEAT), dtype=jnp.float32)
    edge_index = jax.random.randint(k2, (2, N_EDGES), 0, N_NODES, dtype=jnp.int32)
    edge_attr = jax.random.normal(k3, (N_EDGES, D_EDGE), dtype=jnp.float32)
    return {"x": x, "edge_index": edge_index, "edge_attr": edge_attr}


def _spatial_derivative(x, edge_index, edge_attr, mask, idx_node, idx_edge, num_nodes):
    # SpatialDerivativeOperator: finite difference of node feature along each edge,
    # divided by the edge offset (edge_attr column), scatter-MEAN onto source node.
    # Edge filtering (edge_attr[:, idx_edge] != 0) is implemented as masked
    # segment-sum / masked count, which is mathematically identical to selecting
    # the edge subset and running scatter_mean, but keeps shapes static.
    src = edge_index[0]
    dst = edge_index[1]
    diff = x[dst, idx_node] - x[src, idx_node]
    denom = jnp.where(mask, edge_attr[:, idx_edge], jnp.float32(1.0))
    per_edge = jnp.where(mask, diff / denom, jnp.float32(0.0))
    sums = jax.ops.segment_sum(per_edge, src, num_segments=num_nodes)
    counts = jax.ops.segment_sum(mask.astype(per_edge.dtype), src, num_segments=num_nodes)
    return sums / jnp.maximum(counts, 1.0)


def reference(x, edge_index, edge_attr):
    num_nodes = x.shape[0]
    mask_x = edge_attr[:, IDX_X] != 0
    mask_y = edge_attr[:, IDX_Y] != 0
    derivative_x = _spatial_derivative(x, edge_index, edge_attr, mask_x, IDX_NODE, IDX_X, num_nodes)
    derivative_y = _spatial_derivative(x, edge_index, edge_attr, mask_y, IDX_NODE, IDX_Y, num_nodes)
    nabla2d = jnp.concatenate((derivative_x.reshape((-1, 1)), derivative_y.reshape((-1, 1))), axis=1)
    return nabla2d

if __name__ == "__main__":
    import jax
    _d = setup_inputs()
    print(jax.jit(kernel)(*tuple(_d.values())))

</pallas_src>

<mosaic_0001>
#map = affine_map<(d0, d1) -> (0)>
#map1 = affine_map<(d0, d1) -> (0, 0)>
module attributes {stable_mosaic.version = 14 : i64} {
  func.func @_sc_body(%arg0: i32, %arg1: i32, %arg2: memref<10000xf32, #tpu.memory_space<hbm>>, %arg3: memref<2x320000xi32, #tpu.memory_space<hbm>>, %arg4: memref<320000xf32, #tpu.memory_space<hbm>>, %arg5: memref<320000xf32, #tpu.memory_space<hbm>>, %arg6: memref<1310720xf32, #tpu.memory_space<hbm>>, %arg7: memref<10240xf32, #tpu.memory_space<vmem>>, %arg8: memref<2x2048xi32, #tpu.memory_space<vmem>>, %arg9: memref<2x2048xi32, #tpu.memory_space<vmem>>, %arg10: memref<2x2048xi32, #tpu.memory_space<vmem>>, %arg11: memref<2x2048xi32, #tpu.memory_space<vmem>>, %arg12: memref<2x2048xi32, #tpu.memory_space<vmem>>, %arg13: memref<2048xf32, #tpu.memory_space<vmem>>, %arg14: memref<2048xf32, #tpu.memory_space<vmem>>, %arg15: memref<2048xf32, #tpu.memory_space<vmem>>, %arg16: memref<2048xf32, #tpu.memory_space<vmem>>, %arg17: memref<2048xf32, #tpu.memory_space<vmem>>, %arg18: memref<2048xf32, #tpu.memory_space<vmem>>, %arg19: memref<2048xf32, #tpu.memory_space<vmem>>, %arg20: memref<2048xf32, #tpu.memory_space<vmem>>, %arg21: memref<2048xf32, #tpu.memory_space<vmem>>, %arg22: memref<2048xf32, #tpu.memory_space<vmem>>, %arg23: memref<10240xf32, #tpu.memory_space<vmem>>, %arg24: memref<10240xf32, #tpu.memory_space<vmem>>, %arg25: memref<10240xf32, #tpu.memory_space<vmem>>, %arg26: memref<10240xf32, #tpu.memory_space<vmem>>, %arg27: memref<!tpu.dma_semaphore, #tpu.memory_space<semaphore_mem>>, %arg28: memref<!tpu.dma_semaphore, #tpu.memory_space<semaphore_mem>>, %arg29: memref<!tpu.dma_semaphore, #tpu.memory_space<semaphore_mem>>, %arg30: memref<!tpu.dma_semaphore, #tpu.memory_space<semaphore_mem>>, %arg31: memref<!tpu.dma_semaphore, #tpu.memory_space<semaphore_mem>>, %arg32: memref<!tpu.dma_semaphore, #tpu.memory_space<semaphore_mem>>) attributes {dimension_semantics = [#tpu.dimension_semantics<core_parallel>, #tpu.dimension_semantics<subcore_parallel>], iteration_bounds = array<i64: 2, 16>, scalar_prefetch = 0 : i64, scratch_operands = 26 : i64, tpu.core_type = #tpu.core_type<sc_vector_subcore>, window_params = [{transform_indices = #map}, {transform_indices = #map1}, {transform_indices = #map}, {transform_indices = #map}, {transform_indices = #map}]} {
    %mul3A = arith.constant 16 : i32
    %mul3A_0 = arith.muli %arg0, %mul3A : i32
    %add3A = arith.addi %mul3A_0, %arg1 : i32
    %iota3A = tpu.iota {dimensions = array<i32: 0>} : vector<16xi32>
    %broadcast_in_dim3A = arith.constant 0.000000e+00 : f32
    %broadcast_in_dim3A_1 = vector.broadcast %broadcast_in_dim3A : f32 to vector<16xf32>
    %broadcast_in_dim3A_2 = arith.constant 1.000000e+00 : f32
    %broadcast_in_dim3A_3 = vector.broadcast %broadcast_in_dim3A_2 : f32 to vector<16xf32>
    %broadcast_in_dim3A_4 = arith.constant 0 : i32
    %broadcast_in_dim3A_5 = vector.broadcast %broadcast_in_dim3A_4 : i32 to vector<16xi32>
    %add3A_6 = arith.constant 0 : i32
    %add3A_7 = arith.addi %add3A, %add3A_6 : i32
    %lt3A = arith.constant 156 : i32
    %lt3A_8 = arith.cmpi slt, %add3A_7, %lt3A : i32
    %convert_element_type3A = arith.extui %lt3A_8 : i1 to i32
    %cond3A = arith.constant 0 : i32
    %cond3A_9 = arith.cmpi ne, %convert_element_type3A, %cond3A : i32
    scf.if %cond3A_9 {
      %add3A_151 = arith.constant 0 : i32
      %add3A_152 = arith.addi %add3A, %add3A_151 : i32
      %mul3A_153 = arith.constant 2048 : i32
      %mul3A_154 = arith.muli %add3A_152, %mul3A_153 : i32
      %dma_start3A_155 = arith.constant 0 : i32
      %dma_start3A_156 = tpu.memref_slice %arg3[%dma_start3A_155, %mul3A_154] : memref<2x320000xi32, #tpu.memory_space<hbm>> -> memref<2x2048xi32, #tpu.memory_space<hbm>>
      %dma_start3A_157 = arith.constant 0 : i32
      %dma_start3A_158 = tpu.memref_slice %arg3[%dma_start3A_157, %mul3A_154] : memref<2x320000xi32, #tpu.memory_space<hbm>> -> memref<2x2048xi32, #tpu.memory_space<hbm>>
      tpu.enqueue_dma source(%dma_start3A_158 : memref<2x2048xi32, #tpu.memory_space<hbm>>) target(%arg8 : memref<2x2048xi32, #tpu.memory_space<vmem>>) target_semaphore(%arg27 : memref<!tpu.dma_semaphore, #tpu.memory_space<semaphore_mem>>)
      %dma_start3A_159 = tpu.memref_slice %arg4[%mul3A_154] : memref<320000xf32, #tpu.memory_space<hbm>> -> memref<2048xf32, #tpu.memory_space<hbm>>
      %dma_start3A_160 = tpu.memref_slice %arg4[%mul3A_154] : memref<320000xf32, #tpu.memory_space<hbm>> -> memref<2048xf32, #tpu.memory_space<hbm>>
      tpu.enqueue_dma source(%dma_start3A_160 : memref<2048xf32, #tpu.memory_space<hbm>>) target(%arg13 : memref<2048xf32, #tpu.memory_space<vmem>>) target_semaphore(%arg27 : memref<!tpu.dma_semaphore, #tpu.memory_space<semaphore_mem>>)
      %dma_start3A_161 = tpu.memref_slice %arg5[%mul3A_154] : memref<320000xf32, #tpu.memory_space<hbm>> -> memref<2048xf32, #tpu.memory_space<hbm>>
      %dma_start3A_162 = tpu.memref_slice %arg5[%mul3A_154] : memref<320000xf32, #tpu.memory_space<hbm>> -> memref<2048xf32, #tpu.memory_space<hbm>>
      tpu.enqueue_dma source(%dma_start3A_162 : memref<2048xf32, #tpu.memory_space<hbm>>) target(%arg18 : memref<2048xf32, #tpu.memory_space<vmem>>) target_semaphore(%arg27 : memref<!tpu.dma_semaphore, #tpu.memory_space<semaphore_mem>>)
    } else {
    }
    %add3A_10 = arith.constant 32 : i32
    %add3A_11 = arith.addi %add3A, %add3A_10 : i32
    %lt3A_12 = arith.constant 156 : i32
    %lt3A_13 = arith.cmpi slt, %add3A_11, %lt3A_12 : i32
    %convert_element_type3A_14 = arith.extui %lt3A_13 : i1 to i32
    %cond3A_15 = arith.constant 0 : i32
    %cond3A_16 = arith.cmpi ne, %convert_element_type3A_14, %cond3A_15 : i32
    scf.if %cond3A_16 {
      %add3A_151 = arith.constant 32 : i32
      %add3A_152 = arith.addi %add3A, %add3A_151 : i32
      %mul3A_153 = arith.constant 2048 : i32
      %mul3A_154 = arith.muli %add3A_152, %mul3A_153 : i32
      %dma_start3A_155 = arith.constant 0 : i32
      %dma_start3A_156 = tpu.memref_slice %arg3[%dma_start3A_155, %mul3A_154] : memref<2x320000xi32, #tpu.memory_space<hbm>> -> memref<2x2048xi32, #tpu.memory_space<hbm>>
      %dma_start3A_157 = arith.constant 0 : i32
      %dma_start3A_158 = tpu.memref_slice %arg3[%dma_start3A_157, %mul3A_154] : memref<2x320000xi32, #tpu.memory_space<hbm>> -> memref<2x2048xi32, #tpu.memory_space<hbm>>
      tpu.enqueue_dma source(%dma_start3A_158 : memref<2x2048xi32, #tpu.memory_space<hbm>>) target(%arg9 : memref<2x2048xi32, #tpu.memory_space<vmem>>) target_semaphore(%arg28 : memref<!tpu.dma_semaphore, #tpu.memory_space<semaphore_mem>>)
      %dma_start3A_159 = tpu.memref_slice %arg4[%mul3A_154] : memref<320000xf32, #tpu.memory_space<hbm>> -> memref<2048xf32, #tpu.memory_space<hbm>>
      %dma_start3A_160 = tpu.memref_slice %arg4[%mul3A_154] : memref<320000xf32, #tpu.memory_space<hbm>> -> memref<2048xf32, #tpu.memory_space<hbm>>
      tpu.enqueue_dma source(%dma_start3A_160 : memref<2048xf32, #tpu.memory_space<hbm>>) target(%arg14 : memref<2048xf32, #tpu.memory_space<vmem>>) target_semaphore(%arg28 : memref<!tpu.dma_semaphore, #tpu.memory_space<semaphore_mem>>)
      %dma_start3A_161 = tpu.memref_slice %arg5[%mul3A_154] : memref<320000xf32, #tpu.memory_space<hbm>> -> memref<2048xf32, #tpu.memory_space<hbm>>
      %dma_start3A_162 = tpu.memref_slice %arg5[%mul3A_154] : memref<320000xf32, #tpu.memory_space<hbm>> -> memref<2048xf32, #tpu.memory_space<hbm>>
      tpu.enqueue_dma source(%dma_start3A_162 : memref<2048xf32, #tpu.memory_space<hbm>>) target(%arg19 : memref<2048xf32, #tpu.memory_space<vmem>>) target_semaphore(%arg28 : memref<!tpu.dma_semaphore, #tpu.memory_space<semaphore_mem>>)
    } else {
    }
    %add3A_17 = arith.constant 64 : i32
    %add3A_18 = arith.addi %add3A, %add3A_17 : i32
    %lt3A_19 = arith.constant 156 : i32
    %lt3A_20 = arith.cmpi slt, %add3A_18, %lt3A_19 : i32
    %convert_element_type3A_21 = arith.extui %lt3A_20 : i1 to i32
    %cond3A_22 = arith.constant 0 : i32
    %cond3A_23 = arith.cmpi ne, %convert_element_type3A_21, %cond3A_22 : i32
    scf.if %cond3A_23 {
      %add3A_151 = arith.constant 64 : i32
      %add3A_152 = arith.addi %add3A, %add3A_151 : i32
      %mul3A_153 = arith.constant 2048 : i32
      %mul3A_154 = arith.muli %add3A_152, %mul3A_153 : i32
      %dma_start3A_155 = arith.constant 0 : i32
      %dma_start3A_156 = tpu.memref_slice %arg3[%dma_start3A_155, %mul3A_154] : memref<2x320000xi32, #tpu.memory_space<hbm>> -> memref<2x2048xi32, #tpu.memory_space<hbm>>
      %dma_start3A_157 = arith.constant 0 : i32
      %dma_start3A_158 = tpu.memref_slice %arg3[%dma_start3A_157, %mul3A_154] : memref<2x320000xi32, #tpu.memory_space<hbm>> -> memref<2x2048xi32, #tpu.memory_space<hbm>>
      tpu.enqueue_dma source(%dma_start3A_158 : memref<2x2048xi32, #tpu.memory_space<hbm>>) target(%arg10 : memref<2x2048xi32, #tpu.memory_space<vmem>>) target_semaphore(%arg29 : memref<!tpu.dma_semaphore, #tpu.memory_space<semaphore_mem>>)
      %dma_start3A_159 = tpu.memref_slice %arg4[%mul3A_154] : memref<320000xf32, #tpu.memory_space<hbm>> -> memref<2048xf32, #tpu.memory_space<hbm>>
      %dma_start3A_160 = tpu.memref_slice %arg4[%mul3A_154] : memref<320000xf32, #tpu.memory_space<hbm>> -> memref<2048xf32, #tpu.memory_space<hbm>>
      tpu.enqueue_dma source(%dma_start3A_160 : memref<2048xf32, #tpu.memory_space<hbm>>) target(%arg15 : memref<2048xf32, #tpu.memory_space<vmem>>) target_semaphore(%arg29 : memref<!tpu.dma_semaphore, #tpu.memory_space<semaphore_mem>>)
      %dma_start3A_161 = tpu.memref_slice %arg5[%mul3A_154] : memref<320000xf32, #tpu.memory_space<hbm>> -> memref<2048xf32, #tpu.memory_space<hbm>>
      %dma_start3A_162 = tpu.memref_slice %arg5[%mul3A_154] : memref<320000xf32, #tpu.memory_space<hbm>> -> memref<2048xf32, #tpu.memory_space<hbm>>
      tpu.enqueue_dma source(%dma_start3A_162 : memref<2048xf32, #tpu.memory_space<hbm>>) target(%arg20 : memref<2048xf32, #tpu.memory_space<vmem>>) target_semaphore(%arg29 : memref<!tpu.dma_semaphore, #tpu.memory_space<semaphore_mem>>)
    } else {
    }
    %add3A_24 = arith.constant 96 : i32
    %add3A_25 = arith.addi %add3A, %add3A_24 : i32
    %lt3A_26 = arith.constant 156 : i32
    %lt3A_27 = arith.cmpi slt, %add3A_25, %lt3A_26 : i32
    %convert_element_type3A_28 = arith.extui %lt3A_27 : i1 to i32
    %cond3A_29 = arith.constant 0 : i32
    %cond3A_30 = arith.cmpi ne, %convert_element_type3A_28, %cond3A_29 : i32
    scf.if %cond3A_30 {
      %add3A_151 = arith.constant 96 : i32
      %add3A_152 = arith.addi %add3A, %add3A_151 : i32
      %mul3A_153 = arith.constant 2048 : i32
      %mul3A_154 = arith.muli %add3A_152, %mul3A_153 : i32
      %dma_start3A_155 = arith.constant 0 : i32
      %dma_start3A_156 = tpu.memref_slice %arg3[%dma_start3A_155, %mul3A_154] : memref<2x320000xi32, #tpu.memory_space<hbm>> -> memref<2x2048xi32, #tpu.memory_space<hbm>>
      %dma_start3A_157 = arith.constant 0 : i32
      %dma_start3A_158 = tpu.memref_slice %arg3[%dma_start3A_157, %mul3A_154] : memref<2x320000xi32, #tpu.memory_space<hbm>> -> memref<2x2048xi32, #tpu.memory_space<hbm>>
      tpu.enqueue_dma source(%dma_start3A_158 : memref<2x2048xi32, #tpu.memory_space<hbm>>) target(%arg11 : memref<2x2048xi32, #tpu.memory_space<vmem>>) target_semaphore(%arg30 : memref<!tpu.dma_semaphore, #tpu.memory_space<semaphore_mem>>)
      %dma_start3A_159 = tpu.memref_slice %arg4[%mul3A_154] : memref<320000xf32, #tpu.memory_space<hbm>> -> memref<2048xf32, #tpu.memory_space<hbm>>
      %dma_start3A_160 = tpu.memref_slice %arg4[%mul3A_154] : memref<320000xf32, #tpu.memory_space<hbm>> -> memref<2048xf32, #tpu.memory_space<hbm>>
      tpu.enqueue_dma source(%dma_start3A_160 : memref<2048xf32, #tpu.memory_space<hbm>>) target(%arg16 : memref<2048xf32, #tpu.memory_space<vmem>>) target_semaphore(%arg30 : memref<!tpu.dma_semaphore, #tpu.memory_space<semaphore_mem>>)
      %dma_start3A_161 = tpu.memref_slice %arg5[%mul3A_154] : memref<320000xf32, #tpu.memory_space<hbm>> -> memref<2048xf32, #tpu.memory_space<hbm>>
      %dma_start3A_162 = tpu.memref_slice %arg5[%mul3A_154] : memref<320000xf32, #tpu.memory_space<hbm>> -> memref<2048xf32, #tpu.memory_space<hbm>>
      tpu.enqueue_dma source(%dma_start3A_162 : memref<2048xf32, #tpu.memory_space<hbm>>) target(%arg21 : memref<2048xf32, #tpu.memory_space<vmem>>) target_semaphore(%arg30 : memref<!tpu.dma_semaphore, #tpu.memory_space<semaphore_mem>>)
    } else {
    }
    %add3A_31 = arith.constant 128 : i32
    %add3A_32 = arith.addi %add3A, %add3A_31 : i32
    %lt3A_33 = arith.constant 156 : i32
    %lt3A_34 = arith.cmpi slt, %add3A_32, %lt3A_33 : i32
    %convert_element_type3A_35 = arith.extui %lt3A_34 : i1 to i32
    %cond3A_36 = arith.constant 0 : i32
    %cond3A_37 = arith.cmpi ne, %convert_element_type3A_35, %cond3A_36 : i32
    scf.if %cond3A_37 {
      %add3A_151 = arith.constant 128 : i32
      %add3A_152 = arith.addi %add3A, %add3A_151 : i32
      %mul3A_153 = arith.constant 2048 : i32
      %mul3A_154 = arith.muli %add3A_152, %mul3A_153 : i32
      %dma_start3A_155 = arith.constant 0 : i32
      %dma_start3A_156 = tpu.memref_slice %arg3[%dma_start3A_155, %mul3A_154] : memref<2x320000xi32, #tpu.memory_space<hbm>> -> memref<2x2048xi32, #tpu.memory_space<hbm>>
      %dma_start3A_157 = arith.constant 0 : i32
      %dma_start3A_158 = tpu.memref_slice %arg3[%dma_start3A_157, %mul3A_154] : memref<2x320000xi32, #tpu.memory_space<hbm>> -> memref<2x2048xi32, #tpu.memory_space<hbm>>
      tpu.enqueue_dma source(%dma_start3A_158 : memref<2x2048xi32, #tpu.memory_space<hbm>>) target(%arg12 : memref<2x2048xi32, #tpu.memory_space<vmem>>) target_semaphore(%arg31 : memref<!tpu.dma_semaphore, #tpu.memory_space<semaphore_mem>>)
      %dma_start3A_159 = tpu.memref_slice %arg4[%mul3A_154] : memref<320000xf32, #tpu.memory_space<hbm>> -> memref<2048xf32, #tpu.memory_space<hbm>>
      %dma_start3A_160 = tpu.memref_slice %arg4[%mul3A_154] : memref<320000xf32, #tpu.memory_space<hbm>> -> memref<2048xf32, #tpu.memory_space<hbm>>
      tpu.enqueue_dma source(%dma_start3A_160 : memref<2048xf32, #tpu.memory_space<hbm>>) target(%arg17 : memref<2048xf32, #tpu.memory_space<vmem>>) target_semaphore(%arg31 : memref<!tpu.dma_semaphore, #tpu.memory_space<semaphore_mem>>)
      %dma_start3A_161 = tpu.memref_slice %arg5[%mul3A_154] : memref<320000xf32, #tpu.memory_space<hbm>> -> memref<2048xf32, #tpu.memory_space<hbm>>
      %dma_start3A_162 = tpu.memref_slice %arg5[%mul3A_154] : memref<320000xf32, #tpu.memory_space<hbm>> -> memref<2048xf32, #tpu.memory_space<hbm>>
      tpu.enqueue_dma source(%dma_start3A_162 : memref<2048xf32, #tpu.memory_space<hbm>>) target(%arg22 : memref<2048xf32, #tpu.memory_space<vmem>>) target_semaphore(%arg31 : memref<!tpu.dma_semaphore, #tpu.memory_space<semaphore_mem>>)
    } else {
    }
    %dma_start3A = arith.constant 0 : i32
    %dma_start3A_38 = tpu.memref_slice %arg7[%dma_start3A] : memref<10240xf32, #tpu.memory_space<vmem>> -> memref<10000xf32, #tpu.memory_space<vmem>>
    %dma_start3A_39 = arith.constant 0 : i32
    %dma_start3A_40 = tpu.memref_slice %arg7[%dma_start3A_39] : memref<10240xf32, #tpu.memory_space<vmem>> -> memref<10000xf32, #tpu.memory_space<vmem>>
    tpu.enqueue_dma source(%arg2 : memref<10000xf32, #tpu.memory_space<hbm>>) target(%dma_start3A_40 : memref<10000xf32, #tpu.memory_space<vmem>>) target_semaphore(%arg32 : memref<!tpu.dma_semaphore, #tpu.memory_space<semaphore_mem>>)
    %scan3A = arith.constant 0 : i32
    %scan3A_41 = arith.constant 0 : i32
    %scan3A_42 = arith.constant 640 : i32
    %scan3A_43 = arith.addi %scan3A_41, %scan3A_42 : i32
    %scan3A_44 = arith.constant 8 : i32
    scf.for %scan3A_151 = %scan3A_41 to %scan3A_43 step %scan3A_44  : i32 {
      %mul3A_152 = arith.constant 16 : i32
      %mul3A_153 = arith.muli %scan3A_151, %mul3A_152 : i32
      %swap3A = arith.index_cast %mul3A_153 : i32 to index
      %swap3A_154 = tpu.vector_load %arg23[%swap3A] {strides = array<i32>} : memref<10240xf32, #tpu.memory_space<vmem>>, vector<16xf32>,
      tpu.vector_store %arg23[%swap3A], %broadcast_in_dim3A_1 {strides = array<i32>} : memref<10240xf32, #tpu.memory_space<vmem>>, vector<16xf32>,
      %mul3A_155 = arith.constant 16 : i32
      %mul3A_156 = arith.muli %scan3A_151, %mul3A_155 : i32
      %swap3A_157 = arith.index_cast %mul3A_156 : i32 to index
      %swap3A_158 = tpu.vector_load %arg24[%swap3A_157] {strides = array<i32>} : memref<10240xf32, #tpu.memory_space<vmem>>, vector<16xf32>,
      tpu.vector_store %arg24[%swap3A_157], %broadcast_in_dim3A_1 {strides = array<i32>} : memref<10240xf32, #tpu.memory_space<vmem>>, vector<16xf32>,
      %mul3A_159 = arith.constant 16 : i32
      %mul3A_160 = arith.muli %scan3A_151, %mul3A_159 : i32
      %swap3A_161 = arith.index_cast %mul3A_160 : i32 to index
      %swap3A_162 = tpu.vector_load %arg25[%swap3A_161] {strides = array<i32>} : memref<10240xf32, #tpu.memory_space<vmem>>, vector<16xf32>,
      tpu.vector_store %arg25[%swap3A_161], %broadcast_in_dim3A_1 {strides = array<i32>} : memref<10240xf32, #tpu.memory_space<vmem>>, vector<16xf32>,
      %mul3A_163 = arith.constant 16 : i32
      %mul3A_164 = arith.muli %scan3A_151, %mul3A_163 : i32
      %swap3A_165 = arith.index_cast %mul3A_164 : i32 to index
      %swap3A_166 = tpu.vector_load %arg26[%swap3A_165] {strides = array<i32>} : memref<10240xf32, #tpu.memory_space<vmem>>, vector<16xf32>,
      tpu.vector_store %arg26[%swap3A_165], %broadcast_in_dim3A_1 {strides = array<i32>} : memref<10240xf32, #tpu.memory_space<vmem>>, vector<16xf32>,
      %scan3A_167 = arith.constant 1 : i32
      %scan3A_168 = arith.addi %scan3A_151, %scan3A_167 : i32
      %mul3A_169 = arith.constant 16 : i32
      %mul3A_170 = arith.muli %scan3A_168, %mul3A_169 : i32
      %swap3A_171 = arith.index_cast %mul3A_170 : i32 to index
      %swap3A_172 = tpu.vector_load %arg23[%swap3A_171] {strides = array<i32>} : memref<10240xf32, #tpu.memory_space<vmem>>, vector<16xf32>,
      tpu.vector_store %arg23[%swap3A_171], %broadcast_in_dim3A_1 {strides = array<i32>} : memref<10240xf32, #tpu.memory_space<vmem>>, vector<16xf32>,
      %mul3A_173 = arith.constant 16 : i32
      %mul3A_174 = arith.muli %scan3A_168, %mul3A_173 : i32
      %swap3A_175 = arith.index_cast %mul3A_174 : i32 to index
      %swap3A_176 = tpu.vector_load %arg24[%swap3A_175] {strides = array<i32>} : memref<10240xf32, #tpu.memory_space<vmem>>, vector<16xf32>,
      tpu.vector_store %arg24[%swap3A_175], %broadcast_in_dim3A_1 {strides = array<i32>} : memref<10240xf32, #tpu.memory_space<vmem>>, vector<16xf32>,
      %mul3A_177 = arith.constant 16 : i32
      %mul3A_178 = arith.muli %scan3A_168, %mul3A_177 : i32
      %swap3A_179 = arith.index_cast %mul3A_178 : i32 to index
      %swap3A_180 = tpu.vector_load %arg25[%swap3A_179] {strides = array<i32>} : memref<10240xf32, #tpu.memory_space<vmem>>, vector<16xf32>,
      tpu.vector_store %arg25[%swap3A_179], %broadcast_in_dim3A_1 {strides = array<i32>} : memref<10240xf32, #tpu.memory_space<vmem>>, vector<16xf32>,
      %mul3A_181 = arith.constant 16 : i32
      %mul3A_182 = arith.muli %scan3A_168, %mul3A_181 : i32
      %swap3A_183 = arith.index_cast %mul3A_182 : i32 to index
      %swap3A_184 = tpu.vector_load %arg26[%swap3A_183] {strides = array<i32>} : memref<10240xf32, #tpu.memory_space<vmem>>, vector<16xf32>,
      tpu.vector_store %arg26[%swap3A_183], %broadcast_in_dim3A_1 {strides = array<i32>} : memref<10240xf32, #tpu.memory_space<vmem>>, vector<16xf32>,
      %scan3A_185 = arith.constant 2 : i32
      %scan3A_186 = arith.addi %scan3A_151, %scan3A_185 : i32
      %mul3A_187 = arith.constant 16 : i32
      %mul3A_188 = arith.muli %scan3A_186, %mul3A_187 : i32
      %swap3A_189 = arith.index_cast %mul3A_188 : i32 to index
      %swap3A_190 = tpu.vector_load %arg23[%swap3A_189] {strides = array<i32>} : memref<10240xf32, #tpu.memory_space<vmem>>, vector<16xf32>,
      tpu.vector_store %arg23[%swap3A_189], %broadcast_in_dim3A_1 {strides = array<i32>} : memref<10240xf32, #tpu.memory_space<vmem>>, vector<16xf32>,
      %mul3A_191 = arith.constant 16 : i32
      %mul3A_192 = arith.muli %scan3A_186, %mul3A_191 : i32
      %swap3A_193 = arith.index_cast %mul3A_192 : i32 to index
      %swap3A_194 = tpu.vector_load %arg24[%swap3A_193] {strides = array<i32>} : memref<10240xf32, #tpu.memory_space<vmem>>, vector<16xf32>,
      tpu.vector_store %arg24[%swap3A_193], %broadcast_in_dim3A_1 {strides = array<i32>} : memref<10240xf32, #tpu.memory_space<vmem>>, vector<16xf32>,
      %mul3A_195 = arith.constant 16 : i32
      %mul3A_196 = arith.muli %scan3A_186, %mul3A_195 : i32
      %swap3A_197 = arith.index_cast %mul3A_196 : i32 to index
      %swap3A_198 = tpu.vector_load %arg25[%swap3A_197] {strides = array<i32>} : memref<10240xf32, #tpu.memory_space<vmem>>, vector<16xf32>,
      tpu.vector_store %arg25[%swap3A_197], %broadcast_in_dim3A_1 {strides = array<i32>} : memref<10240xf32, #tpu.memory_space<vmem>>, vector<16xf32>,
      %mul3A_199 = arith.constant 16 : i32
      %mul3A_200 = arith.muli %scan3A_186, %mul3A_199 : i32
      %swap3A_201 = arith.index_cast %mul3A_200 : i32 to index
      %swap3A_202 = tpu.vector_load %arg26[%swap3A_201] {strides = array<i32>} : memref<10240xf32, #tpu.memory_space<vmem>>, vector<16xf32>,
      tpu.vector_store %arg26[%swap3A_201], %broadcast_in_dim3A_1 {strides = array<i32>} : memref<10240xf32, #tpu.memory_space<vmem>>, vector<16xf32>,
      %scan3A_203 = arith.constant 3 : i32
      %scan3A_204 = arith.addi %scan3A_151, %scan3A_203 : i32
      %mul3A_205 = arith.constant 16 : i32
      %mul3A_206 = arith.muli %scan3A_204, %mul3A_205 : i32
      %swap3A_207 = arith.index_cast %mul3A_206 : i32 to index
      %swap3A_208 = tpu.vector_load %arg23[%swap3A_207] {strides = array<i32>} : memref<10240xf32, #tpu.memory_space<vmem>>, vector<16xf32>,
      tpu.vector_store %arg23[%swap3A_207], %broadcast_in_dim3A_1 {strides = array<i32>} : memref<10240xf32, #tpu.memory_space<vmem>>, vector<16xf32>,
      %mul3A_209 = arith.constant 16 : i32
      %mul3A_210 = arith.muli %scan3A_204, %mul3A_209 : i32
      %swap3A_211 = arith.index_cast %mul3A_210 : i32 to index
      %swap3A_212 = tpu.vector_load %arg24[%swap3A_211] {strides = array<i32>} : memref<10240xf32, #tpu.memory_space<vmem>>, vector<16xf32>,
      tpu.vector_store %arg24[%swap3A_211], %broadcast_in_dim3A_1 {strides = array<i32>} : memref<10240xf32, #tpu.memory_space<vmem>>, vector<16xf32>,
      %mul3A_213 = arith.constant 16 : i32
      %mul3A_214 = arith.muli %scan3A_204, %mul3A_213 : i32
      %swap3A_215 = arith.index_cast %mul3A_214 : i32 to index
      %swap3A_216 = tpu.vector_load %arg25[%swap3A_215] {strides = array<i32>} : memref<10240xf32, #tpu.memory_space<vmem>>, vector<16xf32>,
      tpu.vector_store %arg25[%swap3A_215], %broadcast_in_dim3A_1 {strides = array<i32>} : memref<10240xf32, #tpu.memory_space<vmem>>, vector<16xf32>,
      %mul3A_217 = arith.constant 16 : i32
      %mul3A_218 = arith.muli %scan3A_204, %mul3A_217 : i32
      %swap3A_219 = arith.index_cast %mul3A_218 : i32 to index
      %swap3A_220 = tpu.vector_load %arg26[%swap3A_219] {strides = array<i32>} : memref<10240xf32, #tpu.memory_space<vmem>>, vector<16xf32>,
      tpu.vector_store %arg26[%swap3A_219], %broadcast_in_dim3A_1 {strides = array<i32>} : memref<10240xf32, #tpu.memory_space<vmem>>, vector<16xf32>,
      %scan3A_221 = arith.constant 4 : i32
      %scan3A_222 = arith.addi %scan3A_151, %scan3A_221 : i32
      %mul3A_223 = arith.constant 16 : i32
      %mul3A_224 = arith.muli %scan3A_222, %mul3A_223 : i32
      %swap3A_225 = arith.index_cast %mul3A_224 : i32 to index
      %swap3A_226 = tpu.vector_load %arg23[%swap3A_225] {strides = array<i32>} : memref<10240xf32, #tpu.memory_space<vmem>>, vector<16xf32>,
      tpu.vector_store %arg23[%swap3A_225], %broadcast_in_dim3A_1 {strides = array<i32>} : memref<10240xf32, #tpu.memory_space<vmem>>, vector<16xf32>,
      %mul3A_227 = arith.constant 16 : i32
      %mul3A_228 = arith.muli %scan3A_222, %mul3A_227 : i32
      %swap3A_229 = arith.index_cast %mul3A_228 : i32 to index
      %swap3A_230 = tpu.vector_load %arg24[%swap3A_229] {strides = array<i32>} : memref<10240xf32, #tpu.memory_space<vmem>>, vector<16xf32>,
      tpu.vector_store %arg24[%swap3A_229], %broadcast_in_dim3A_1 {strides = array<i32>} : memref<10240xf32, #tpu.memory_space<vmem>>, vector<16xf32>,
      %mul3A_231 = arith.constant 16 : i32
      %mul3A_232 = arith.muli %scan3A_222, %mul3A_231 : i32
      %swap3A_233 = arith.index_cast %mul3A_232 : i32 to index
      %swap3A_234 = tpu.vector_load %arg25[%swap3A_233] {strides = array<i32>} : memref<10240xf32, #tpu.memory_space<vmem>>, vector<16xf32>,
      tpu.vector_store %arg25[%swap3A_233], %broadcast_in_dim3A_1 {strides = array<i32>} : memref<10240xf32, #tpu.memory_space<vmem>>, vector<16xf32>,
      %mul3A_235 = arith.constant 16 : i32
      %mul3A_236 = arith.muli %scan3A_222, %mul3A_235 : i32
      %swap3A_237 = arith.index_cast %mul3A_236 : i32 to index
      %swap3A_238 = tpu.vector_load %arg26[%swap3A_237] {strides = array<i32>} : memref<10240xf32, #tpu.memory_space<vmem>>, vector<16xf32>,
      tpu.vector_store %arg26[%swap3A_237], %broadcast_in_dim3A_1 {strides = array<i32>} : memref<10240xf32, #tpu.memory_space<vmem>>, vector<16xf32>,
      %scan3A_239 = arith.constant 5 : i32
      %scan3A_240 = arith.addi %scan3A_151, %scan3A_239 : i32
      %mul3A_241 = arith.constant 16 : i32
      %mul3A_242 = arith.muli %scan3A_240, %mul3A_241 : i32
      %swap3A_243 = arith.index_cast %mul3A_242 : i32 to index
      %swap3A_244 = tpu.vector_load %arg23[%swap3A_243] {strides = array<i32>} : memref<10240xf32, #tpu.memory_space<vmem>>, vector<16xf32>,
      tpu.vector_store %arg23[%swap3A_243], %broadcast_in_dim3A_1 {strides = array<i32>} : memref<10240xf32, #tpu.memory_space<vmem>>, vector<16xf32>,
      %mul3A_245 = arith.constant 16 : i32
      %mul3A_246 = arith.muli %scan3A_240, %mul3A_245 : i32
      %swap3A_247 = arith.index_cast %mul3A_246 : i32 to index
      %swap3A_248 = tpu.vector_load %arg24[%swap3A_247] {strides = array<i32>} : memref<10240xf32, #tpu.memory_space<vmem>>, vector<16xf32>,
      tpu.vector_store %arg24[%swap3A_247], %broadcast_in_dim3A_1 {strides = array<i32>} : memref<10240xf32, #tpu.memory_space<vmem>>, vector<16xf32>,
      %mul3A_249 = arith.constant 16 : i32
      %mul3A_250 = arith.muli %scan3A_240, %mul3A_249 : i32
      %swap3A_251 = arith.index_cast %mul3A_250 : i32 to index
      %swap3A_252 = tpu.vector_load %arg25[%swap3A_251] {strides = array<i32>} : memref<10240xf32, #tpu.memory_space<vmem>>, vector<16xf32>,
      tpu.vector_store %arg25[%swap3A_251], %broadcast_in_dim3A_1 {strides = array<i32>} : memref<10240xf32, #tpu.memory_space<vmem>>, vector<16xf32>,
      %mul3A_253 = arith.constant 16 : i32
      %mul3A_254 = arith.muli %scan3A_240, %mul3A_253 : i32
      %swap3A_255 = arith.index_cast %mul3A_254 : i32 to index
      %swap3A_256 = tpu.vector_load %arg26[%swap3A_255] {strides = array<i32>} : memref<10240xf32, #tpu.memory_space<vmem>>, vector<16xf32>,
      tpu.vector_store %arg26[%swap3A_255], %broadcast_in_dim3A_1 {strides = array<i32>} : memref<10240xf32, #tpu.memory_space<vmem>>, vector<16xf32>,
      %scan3A_257 = arith.constant 6 : i32
      %scan3A_258 = arith.addi %scan3A_151, %scan3A_257 : i32
      %mul3A_259 = arith.constant 16 : i32
      %mul3A_260 = arith.muli %scan3A_258, %mul3A_259 : i32
      %swap3A_261 = arith.index_cast %mul3A_260 : i32 to index
      %swap3A_262 = tpu.vector_load %arg23[%swap3A_261] {strides = array<i32>} : memref<10240xf32, #tpu.memory_space<vmem>>, vector<16xf32>,
      tpu.vector_store %arg23[%swap3A_261], %broadcast_in_dim3A_1 {strides = array<i32>} : memref<10240xf32, #tpu.memory_space<vmem>>, vector<16xf32>,
      %mul3A_263 = arith.constant 16 : i32
      %mul3A_264 = arith.muli %scan3A_258, %mul3A_263 : i32
      %swap3A_265 = arith.index_cast %mul3A_264 : i32 to index
      %swap3A_266 = tpu.vector_load %arg24[%swap3A_265] {strides = array<i32>} : memref<10240xf32, #tpu.memory_space<vmem>>, vector<16xf32>,
      tpu.vector_store %arg24[%swap3A_265], %broadcast_in_dim3A_1 {strides = array<i32>} : memref<10240xf32, #tpu.memory_space<vmem>>, vector<16xf32>,
      %mul3A_267 = arith.constant 16 : i32
      %mul3A_268 = arith.muli %scan3A_258, %mul3A_267 : i32
      %swap3A_269 = arith.index_cast %mul3A_268 : i32 to index
      %swap3A_270 = tpu.vector_load %arg25[%swap3A_269] {strides = array<i32>} : memref<10240xf32, #tpu.memory_space<vmem>>, vector<16xf32>,
      tpu.vector_store %arg25[%swap3A_269], %broadcast_in_dim3A_1 {strides = array<i32>} : memref<10240xf32, #tpu.memory_space<vmem>>, vector<16xf32>,
      %mul3A_271 = arith.constant 16 : i32
      %mul3A_272 = arith.muli %scan3A_258, %mul3A_271 : i32
      %swap3A_273 = arith.index_cast %mul3A_272 : i32 to index
      %swap3A_274 = tpu.vector_load %arg26[%swap3A_273] {strides = array<i32>} : memref<10240xf32, #tpu.memory_space<vmem>>, vector<16xf32>,
      tpu.vector_store %arg26[%swap3A_273], %broadcast_in_dim3A_1 {strides = array<i32>} : memref<10240xf32, #tpu.memory_space<vmem>>, vector<16xf32>,
      %scan3A_275 = arith.constant 7 : i32
      %scan3A_276 = arith.addi %scan3A_151, %scan3A_275 : i32
      %mul3A_277 = arith.constant 16 : i32
      %mul3A_278 = arith.muli %scan3A_276, %mul3A_277 : i32
      %swap3A_279 = arith.index_cast %mul3A_278 : i32 to index
      %swap3A_280 = tpu.vector_load %arg23[%swap3A_279] {strides = array<i32>} : memref<10240xf32, #tpu.memory_space<vmem>>, vector<16xf32>,
      tpu.vector_store %arg23[%swap3A_279], %broadcast_in_dim3A_1 {strides = array<i32>} : memref<10240xf32, #tpu.memory_space<vmem>>, vector<16xf32>,
      %mul3A_281 = arith.constant 16 : i32
      %mul3A_282 = arith.muli %scan3A_276, %mul3A_281 : i32
      %swap3A_283 = arith.index_cast %mul3A_282 : i32 to index
      %swap3A_284 = tpu.vector_load %arg24[%swap3A_283] {strides = array<i32>} : memref<10240xf32, #tpu.memory_space<vmem>>, vector<16xf32>,
      tpu.vector_store %arg24[%swap3A_283], %broadcast_in_dim3A_1 {strides = array<i32>} : memref<10240xf32, #tpu.memory_space<vmem>>, vector<16xf32>,
      %mul3A_285 = arith.constant 16 : i32
      %mul3A_286 = arith.muli %scan3A_276, %mul3A_285 : i32
      %swap3A_287 = arith.index_cast %mul3A_286 : i32 to index
      %swap3A_288 = tpu.vector_load %arg25[%swap3A_287] {strides = array<i32>} : memref<10240xf32, #tpu.memory_space<vmem>>, vector<16xf32>,
      tpu.vector_store %arg25[%swap3A_287], %broadcast_in_dim3A_1 {strides = array<i32>} : memref<10240xf32, #tpu.memory_space<vmem>>, vector<16xf32>,
      %mul3A_289 = arith.constant 16 : i32
      %mul3A_290 = arith.muli %scan3A_276, %mul3A_289 : i32
      %swap3A_291 = arith.index_cast %mul3A_290 : i32 to index
      %swap3A_292 = tpu.vector_load %arg26[%swap3A_291] {strides = array<i32>} : memref<10240xf32, #tpu.memory_space<vmem>>, vector<16xf32>,
      tpu.vector_store %arg26[%swap3A_291], %broadcast_in_dim3A_1 {strides = array<i32>} : memref<10240xf32, #tpu.memory_space<vmem>>, vector<16xf32>,
    }
    %scan3A_45 = arith.constant 640 : i32
    %dma_wait3A = arith.constant 0 : i32
    %dma_wait3A_46 = tpu.memref_slice %arg7[%dma_wait3A] : memref<10240xf32, #tpu.memory_space<vmem>> -> memref<10000xf32, #tpu.memory_space<vmem>>
    %dma_wait3A_47 = arith.constant 0 : i32
    %dma_wait3A_48 = tpu.memref_slice %arg7[%dma_wait3A_47] : memref<10240xf32, #tpu.memory_space<vmem>> -> memref<10000xf32, #tpu.memory_space<vmem>>
    tpu.wait_dma2 semaphore(%arg32 : memref<!tpu.dma_semaphore, #tpu.memory_space<semaphore_mem>>) src(%arg2 : memref<10000xf32, #tpu.memory_space<hbm>>) dst(%dma_wait3A_48 : memref<10000xf32, #tpu.memory_space<vmem>>)
    %add3A_49 = arith.constant 0 : i32
    %add3A_50 = arith.addi %add3A, %add3A_49 : i32
    %lt3A_51 = arith.constant 156 : i32
    %lt3A_52 = arith.cmpi slt, %add3A_50, %lt3A_51 : i32
    %convert_element_type3A_53 = arith.extui %lt3A_52 : i1 to i32
    %cond3A_54 = arith.constant 0 : i32
    %cond3A_55 = arith.cmpi ne, %convert_element_type3A_53, %cond3A_54 : i32
    scf.if %cond3A_55 {
      %add3A_151 = arith.constant 0 : i32
      %add3A_152 = arith.addi %add3A, %add3A_151 : i32
      %mul3A_153 = arith.constant 2048 : i32
      %mul3A_154 = arith.muli %add3A_152, %mul3A_153 : i32
      %dma_wait3A_155 = arith.constant 0 : i32
      %dma_wait3A_156 = tpu.memref_slice %arg3[%dma_wait3A_155, %mul3A_154] : memref<2x320000xi32, #tpu.memory_space<hbm>> -> memref<2x2048xi32, #tpu.memory_space<hbm>>
      %dma_wait3A_157 = arith.constant 0 : i32
      %dma_wait3A_158 = tpu.memref_slice %arg3[%dma_wait3A_157, %mul3A_154] : memref<2x320000xi32, #tpu.memory_space<hbm>> -> memref<2x2048xi32, #tpu.memory_space<hbm>>
      tpu.wait_dma2 semaphore(%arg27 : memref<!tpu.dma_semaphore, #tpu.memory_space<semaphore_mem>>) src(%dma_wait3A_158 : memref<2x2048xi32, #tpu.memory_space<hbm>>) dst(%arg8 : memref<2x2048xi32, #tpu.memory_space<vmem>>)
      %dma_wait3A_159 = tpu.memref_slice %arg4[%mul3A_154] : memref<320000xf32, #tpu.memory_space<hbm>> -> memref<2048xf32, #tpu.memory_space<hbm>>
      %dma_wait3A_160 = tpu.memref_slice %arg4[%mul3A_154] : memref<320000xf32, #tpu.memory_space<hbm>> -> memref<2048xf32, #tpu.memory_space<hbm>>
      tpu.wait_dma2 semaphore(%arg27 : memref<!tpu.dma_semaphore, #tpu.memory_space<semaphore_mem>>) src(%dma_wait3A_160 : memref<2048xf32, #tpu.memory_space<hbm>>) dst(%arg13 : memref<2048xf32, #tpu.memory_space<vmem>>)
      %dma_wait3A_161 = tpu.memref_slice %arg5[%mul3A_154] : memref<320000xf32, #tpu.memory_space<hbm>> -> memref<2048xf32, #tpu.memory_space<hbm>>
      %dma_wait3A_162 = tpu.memref_slice %arg5[%mul3A_154] : memref<320000xf32, #tpu.memory_space<hbm>> -> memref<2048xf32, #tpu.memory_space<hbm>>
      tpu.wait_dma2 semaphore(%arg27 : memref<!tpu.dma_semaphore, #tpu.memory_space<semaphore_mem>>) src(%dma_wait3A_162 : memref<2048xf32, #tpu.memory_space<hbm>>) dst(%arg18 : memref<2048xf32, #tpu.memory_space<vmem>>)
    } else {
    }
    %add3A_56 = arith.constant 0 : i32
    %add3A_57 = arith.addi %add3A, %add3A_56 : i32
    %lt3A_58 = arith.constant 156 : i32
    %lt3A_59 = arith.cmpi slt, %add3A_57, %lt3A_58 : i32
    %convert_element_type3A_60 = arith.extui %lt3A_59 : i1 to i32
    %cond3A_61 = arith.constant 0 : i32
    %cond3A_62 = arith.cmpi ne, %convert_element_type3A_60, %cond3A_61 : i32
    scf.if %cond3A_62 {
      %scan3A_151 = arith.constant 0 : i32
      %scan3A_152 = arith.constant 0 : i32
      %scan3A_153 = arith.constant 128 : i32
      %scan3A_154 = arith.addi %scan3A_152, %scan3A_153 : i32
      %scan3A_155 = arith.constant 1 : i32
      scf.for %scan3A_157 = %scan3A_152 to %scan3A_154 step %scan3A_155  : i32 {
        %mul3A_158 = arith.constant 16 : i32
        %mul3A_159 = arith.muli %scan3A_157, %mul3A_158 : i32
        %get3A = arith.constant 0 : i32
        %get3A_160 = arith.index_cast %get3A : i32 to index
        %get3A_161 = arith.index_cast %mul3A_159 : i32 to index
        %get3A_162 = tpu.vector_load %arg8[%get3A_160, %get3A_161] {strides = array<i32>} : memref<2x2048xi32, #tpu.memory_space<vmem>>, vector<16xi32>,
        %mul3A_163 = arith.constant 16 : i32
        %mul3A_164 = arith.muli %scan3A_157, %mul3A_163 : i32
        %get3A_165 = arith.constant 1 : i32
        %get3A_166 = arith.index_cast %get3A_165 : i32 to index
        %get3A_167 = arith.index_cast %mul3A_164 : i32 to index
        %get3A_168 = tpu.vector_load %arg8[%get3A_166, %get3A_167] {strides = array<i32>} : memref<2x2048xi32, #tpu.memory_space<vmem>>, vector<16xi32>,
        %gather3A = tpu.vector_load_idx %arg7[%get3A_162] : memref<10240xf32, #tpu.memory_space<vmem>>[vector<16xi32>], vector<16xf32>,
        %gather3A_169 = tpu.vector_load_idx %arg7[%get3A_168] : memref<10240xf32, #tpu.memory_space<vmem>>[vector<16xi32>], vector<16xf32>,
        %mul3A_170 = arith.constant 16 : i32
        %mul3A_171 = arith.muli %scan3A_157, %mul3A_170 : i32
        %get3A_172 = arith.index_cast %mul3A_171 : i32 to index
        %get3A_173 = tpu.vector_load %arg13[%get3A_172] {strides = array<i32>} : memref<2048xf32, #tpu.memory_space<vmem>>, vector<16xf32>,
        %mul3A_174 = arith.constant 16 : i32
        %mul3A_175 = arith.muli %scan3A_157, %mul3A_174 : i32
        %get3A_176 = arith.index_cast %mul3A_175 : i32 to index
        %get3A_177 = tpu.vector_load %arg18[%get3A_176] {strides = array<i32>} : memref<2048xf32, #tpu.memory_space<vmem>>, vector<16xf32>,
        %sub3A = arith.subf %gather3A_169, %gather3A : vector<16xf32>
        %ne3A = arith.constant 0.000000e+00 : f32
        %ne3A_178 = vector.broadcast %ne3A : f32 to vector<16xf32>
        %ne3A_179 = arith.cmpf one, %get3A_173, %ne3A_178 : vector<16xf32>
        %ne3A_180 = arith.constant 0.000000e+00 : f32
        %ne3A_181 = vector.broadcast %ne3A_180 : f32 to vector<16xf32>
        %ne3A_182 = arith.cmpf one, %get3A_177, %ne3A_181 : vector<16xf32>
        %select_n3A = arith.select %ne3A_179, %get3A_173, %broadcast_in_dim3A_3 : vector<16xi1>, vector<16xf32>
        %div3A = arith.divf %sub3A, %select_n3A : vector<16xf32>
        %select_n3A_183 = arith.select %ne3A_179, %div3A, %broadcast_in_dim3A_1 : vector<16xi1>, vector<16xf32>
        %select_n3A_184 = arith.select %ne3A_182, %get3A_177, %broadcast_in_dim3A_3 : vector<16xi1>, vector<16xf32>
        %div3A_185 = arith.divf %sub3A, %select_n3A_184 : vector<16xf32>
        %select_n3A_186 = arith.select %ne3A_182, %div3A_185, %broadcast_in_dim3A_1 : vector<16xi1>, vector<16xf32>
        %select_n3A_187 = arith.select %ne3A_179, %broadcast_in_dim3A_3, %broadcast_in_dim3A_1 : vector<16xi1>, vector<16xf32>
        %select_n3A_188 = arith.select %ne3A_182, %broadcast_in_dim3A_3, %broadcast_in_dim3A_1 : vector<16xi1>, vector<16xf32>
        tpu.vector_store_idx %arg23[%get3A_162], %select_n3A_183 {add = true} : memref<10240xf32, #tpu.memory_space<vmem>>[vector<16xi32>], vector<16xf32>,
        tpu.vector_store_idx %arg24[%get3A_162], %select_n3A_187 {add = true} : memref<10240xf32, #tpu.memory_space<vmem>>[vector<16xi32>], vector<16xf32>,
        tpu.vector_store_idx %arg25[%get3A_162], %select_n3A_186 {add = true} : memref<10240xf32, #tpu.memory_space<vmem>>[vector<16xi32>], vector<16xf32>,
        tpu.vector_store_idx %arg26[%get3A_162], %select_n3A_188 {add = true} : memref<10240xf32, #tpu.memory_space<vmem>>[vector<16xi32>], vector<16xf32>,
      }
      %scan3A_156 = arith.constant 128 : i32
    } else {
    }
    %add3A_63 = arith.constant 32 : i32
    %add3A_64 = arith.addi %add3A, %add3A_63 : i32
    %lt3A_65 = arith.constant 156 : i32
    %lt3A_66 = arith.cmpi slt, %add3A_64, %lt3A_65 : i32
    %convert_element_type3A_67 = arith.extui %lt3A_66 : i1 to i32
    %cond3A_68 = arith.constant 0 : i32
    %cond3A_69 = arith.cmpi ne, %convert_element_type3A_67, %cond3A_68 : i32
    scf.if %cond3A_69 {
      %add3A_151 = arith.constant 32 : i32
      %add3A_152 = arith.addi %add3A, %add3A_151 : i32
      %mul3A_153 = arith.constant 2048 : i32
      %mul3A_154 = arith.muli %add3A_152, %mul3A_153 : i32
      %dma_wait3A_155 = arith.constant 0 : i32
      %dma_wait3A_156 = tpu.memref_slice %arg3[%dma_wait3A_155, %mul3A_154] : memref<2x320000xi32, #tpu.memory_space<hbm>> -> memref<2x2048xi32, #tpu.memory_space<hbm>>
      %dma_wait3A_157 = arith.constant 0 : i32
      %dma_wait3A_158 = tpu.memref_slice %arg3[%dma_wait3A_157, %mul3A_154] : memref<2x320000xi32, #tpu.memory_space<hbm>> -> memref<2x2048xi32, #tpu.memory_space<hbm>>
      tpu.wait_dma2 semaphore(%arg28 : memref<!tpu.dma_semaphore, #tpu.memory_space<semaphore_mem>>) src(%dma_wait3A_158 : memref<2x2048xi32, #tpu.memory_space<hbm>>) dst(%arg9 : memref<2x2048xi32, #tpu.memory_space<vmem>>)
      %dma_wait3A_159 = tpu.memref_slice %arg4[%mul3A_154] : memref<320000xf32, #tpu.memory_space<hbm>> -> memref<2048xf32, #tpu.memory_space<hbm>>
      %dma_wait3A_160 = tpu.memref_slice %arg4[%mul3A_154] : memref<320000xf32, #tpu.memory_space<hbm>> -> memref<2048xf32, #tpu.memory_space<hbm>>
      tpu.wait_dma2 semaphore(%arg28 : memref<!tpu.dma_semaphore, #tpu.memory_space<semaphore_mem>>) src(%dma_wait3A_160 : memref<2048xf32, #tpu.memory_space<hbm>>) dst(%arg14 : memref<2048xf32, #tpu.memory_space<vmem>>)
      %dma_wait3A_161 = tpu.memref_slice %arg5[%mul3A_154] : memref<320000xf32, #tpu.memory_space<hbm>> -> memref<2048xf32, #tpu.memory_space<hbm>>
      %dma_wait3A_162 = tpu.memref_slice %arg5[%mul3A_154] : memref<320000xf32, #tpu.memory_space<hbm>> -> memref<2048xf32, #tpu.memory_space<hbm>>
      tpu.wait_dma2 semaphore(%arg28 : memref<!tpu.dma_semaphore, #tpu.memory_space<semaphore_mem>>) src(%dma_wait3A_162 : memref<2048xf32, #tpu.memory_space<hbm>>) dst(%arg19 : memref<2048xf32, #tpu.memory_space<vmem>>)
    } else {
    }
    %add3A_70 = arith.constant 32 : i32
    %add3A_71 = arith.addi %add3A, %add3A_70 : i32
    %lt3A_72 = arith.constant 156 : i32
    %lt3A_73 = arith.cmpi slt, %add3A_71, %lt3A_72 : i32
    %convert_element_type3A_74 = arith.extui %lt3A_73 : i1 to i32
    %cond3A_75 = arith.constant 0 : i32
    %cond3A_76 = arith.cmpi ne, %convert_element_type3A_74, %cond3A_75 : i32
    scf.if %cond3A_76 {
      %scan3A_151 = arith.constant 0 : i32
      %scan3A_152 = arith.constant 0 : i32
      %scan3A_153 = arith.constant 128 : i32
      %scan3A_154 = arith.addi %scan3A_152, %scan3A_153 : i32
      %scan3A_155 = arith.constant 1 : i32
      scf.for %scan3A_157 = %scan3A_152 to %scan3A_154 step %scan3A_155  : i32 {
        %mul3A_158 = arith.constant 16 : i32
        %mul3A_159 = arith.muli %scan3A_157, %mul3A_158 : i32
        %get3A = arith.constant 0 : i32
        %get3A_160 = arith.index_cast %get3A : i32 to index
        %get3A_161 = arith.index_cast %mul3A_159 : i32 to index
        %get3A_162 = tpu.vector_load %arg9[%get3A_160, %get3A_161] {strides = array<i32>} : memref<2x2048xi32, #tpu.memory_space<vmem>>, vector<16xi32>,
        %mul3A_163 = arith.constant 16 : i32
        %mul3A_164 = arith.muli %scan3A_157, %mul3A_163 : i32
        %get3A_165 = arith.constant 1 : i32
        %get3A_166 = arith.index_cast %get3A_165 : i32 to index
        %get3A_167 = arith.index_cast %mul3A_164 : i32 to index
        %get3A_168 = tpu.vector_load %arg9[%get3A_166, %get3A_167] {strides = array<i32>} : memref<2x2048xi32, #tpu.memory_space<vmem>>, vector<16xi32>,
        %gather3A = tpu.vector_load_idx %arg7[%get3A_162] : memref<10240xf32, #tpu.memory_space<vmem>>[vector<16xi32>], vector<16xf32>,
        %gather3A_169 = tpu.vector_load_idx %arg7[%get3A_168] : memref<10240xf32, #tpu.memory_space<vmem>>[vector<16xi32>], vector<16xf32>,
        %mul3A_170 = arith.constant 16 : i32
        %mul3A_171 = arith.muli %scan3A_157, %mul3A_170 : i32
        %get3A_172 = arith.index_cast %mul3A_171 : i32 to index
        %get3A_173 = tpu.vector_load %arg14[%get3A_172] {strides = array<i32>} : memref<2048xf32, #tpu.memory_space<vmem>>, vector<16xf32>,
        %mul3A_174 = arith.constant 16 : i32
        %mul3A_175 = arith.muli %scan3A_157, %mul3A_174 : i32
        %get3A_176 = arith.index_cast %mul3A_175 : i32 to index
        %get3A_177 = tpu.vector_load %arg19[%get3A_176] {strides = array<i32>} : memref<2048xf32, #tpu.memory_space<vmem>>, vector<16xf32>,
        %sub3A = arith.subf %gather3A_169, %gather3A : vector<16xf32>
        %ne3A = arith.constant 0.000000e+00 : f32
        %ne3A_178 = vector.broadcast %ne3A : f32 to vector<16xf32>
        %ne3A_179 = arith.cmpf one, %get3A_173, %ne3A_178 : vector<16xf32>
        %ne3A_180 = arith.constant 0.000000e+00 : f32
        %ne3A_181 = vector.broadcast %ne3A_180 : f32 to vector<16xf32>
        %ne3A_182 = arith.cmpf one, %get3A_177, %ne3A_181 : vector<16xf32>
        %select_n3A = arith.select %ne3A_179, %get3A_173, %broadcast_in_dim3A_3 : vector<16xi1>, vector<16xf32>
        %div3A = arith.divf %sub3A, %select_n3A : vector<16xf32>
        %select_n3A_183 = arith.select %ne3A_179, %div3A, %broadcast_in_dim3A_1 : vector<16xi1>, vector<16xf32>
        %select_n3A_184 = arith.select %ne3A_182, %get3A_177, %broadcast_in_dim3A_3 : vector<16xi1>, vector<16xf32>
        %div3A_185 = arith.divf %sub3A, %select_n3A_184 : vector<16xf32>
        %select_n3A_186 = arith.select %ne3A_182, %div3A_185, %broadcast_in_dim3A_1 : vector<16xi1>, vector<16xf32>
        %select_n3A_187 = arith.select %ne3A_179, %broadcast_in_dim3A_3, %broadcast_in_dim3A_1 : vector<16xi1>, vector<16xf32>
        %select_n3A_188 = arith.select %ne3A_182, %broadcast_in_dim3A_3, %broadcast_in_dim3A_1 : vector<16xi1>, vector<16xf32>
        tpu.vector_store_idx %arg23[%get3A_162], %select_n3A_183 {add = true} : memref<10240xf32, #tpu.memory_space<vmem>>[vector<16xi32>], vector<16xf32>,
        tpu.vector_store_idx %arg24[%get3A_162], %select_n3A_187 {add = true} : memref<10240xf32, #tpu.memory_space<vmem>>[vector<16xi32>], vector<16xf32>,
        tpu.vector_store_idx %arg25[%get3A_162], %select_n3A_186 {add = true} : memref<10240xf32, #tpu.memory_space<vmem>>[vector<16xi32>], vector<16xf32>,
        tpu.vector_store_idx %arg26[%get3A_162], %select_n3A_188 {add = true} : memref<10240xf32, #tpu.memory_space<vmem>>[vector<16xi32>], vector<16xf32>,
      }
      %scan3A_156 = arith.constant 128 : i32
    } else {
    }
    %add3A_77 = arith.constant 64 : i32
    %add3A_78 = arith.addi %add3A, %add3A_77 : i32
    %lt3A_79 = arith.constant 156 : i32
    %lt3A_80 = arith.cmpi slt, %add3A_78, %lt3A_79 : i32
    %convert_element_type3A_81 = arith.extui %lt3A_80 : i1 to i32
    %cond3A_82 = arith.constant 0 : i32
    %cond3A_83 = arith.cmpi ne, %convert_element_type3A_81, %cond3A_82 : i32
    scf.if %cond3A_83 {
      %add3A_151 = arith.constant 64 : i32
      %add3A_152 = arith.addi %add3A, %add3A_151 : i32
      %mul3A_153 = arith.constant 2048 : i32
      %mul3A_154 = arith.muli %add3A_152, %mul3A_153 : i32
      %dma_wait3A_155 = arith.constant 0 : i32
      %dma_wait3A_156 = tpu.memref_slice %arg3[%dma_wait3A_155, %mul3A_154] : memref<2x320000xi32, #tpu.memory_space<hbm>> -> memref<2x2048xi32, #tpu.memory_space<hbm>>
      %dma_wait3A_157 = arith.constant 0 : i32
      %dma_wait3A_158 = tpu.memref_slice %arg3[%dma_wait3A_157, %mul3A_154] : memref<2x320000xi32, #tpu.memory_space<hbm>> -> memref<2x2048xi32, #tpu.memory_space<hbm>>
      tpu.wait_dma2 semaphore(%arg29 : memref<!tpu.dma_semaphore, #tpu.memory_space<semaphore_mem>>) src(%dma_wait3A_158 : memref<2x2048xi32, #tpu.memory_space<hbm>>) dst(%arg10 : memref<2x2048xi32, #tpu.memory_space<vmem>>)
      %dma_wait3A_159 = tpu.memref_slice %arg4[%mul3A_154] : memref<320000xf32, #tpu.memory_space<hbm>> -> memref<2048xf32, #tpu.memory_space<hbm>>
      %dma_wait3A_160 = tpu.memref_slice %arg4[%mul3A_154] : memref<320000xf32, #tpu.memory_space<hbm>> -> memref<2048xf32, #tpu.memory_space<hbm>>
      tpu.wait_dma2 semaphore(%arg29 : memref<!tpu.dma_semaphore, #tpu.memory_space<semaphore_mem>>) src(%dma_wait3A_160 : memref<2048xf32, #tpu.memory_space<hbm>>) dst(%arg15 : memref<2048xf32, #tpu.memory_space<vmem>>)
      %dma_wait3A_161 = tpu.memref_slice %arg5[%mul3A_154] : memref<320000xf32, #tpu.memory_space<hbm>> -> memref<2048xf32, #tpu.memory_space<hbm>>
      %dma_wait3A_162 = tpu.memref_slice %arg5[%mul3A_154] : memref<320000xf32, #tpu.memory_space<hbm>> -> memref<2048xf32, #tpu.memory_space<hbm>>
      tpu.wait_dma2 semaphore(%arg29 : memref<!tpu.dma_semaphore, #tpu.memory_space<semaphore_mem>>) src(%dma_wait3A_162 : memref<2048xf32, #tpu.memory_space<hbm>>) dst(%arg20 : memref<2048xf32, #tpu.memory_space<vmem>>)
    } else {
    }
    %add3A_84 = arith.constant 64 : i32
    %add3A_85 = arith.addi %add3A, %add3A_84 : i32
    %lt3A_86 = arith.constant 156 : i32
    %lt3A_87 = arith.cmpi slt, %add3A_85, %lt3A_86 : i32
    %convert_element_type3A_88 = arith.extui %lt3A_87 : i1 to i32
    %cond3A_89 = arith.constant 0 : i32
    %cond3A_90 = arith.cmpi ne, %convert_element_type3A_88, %cond3A_89 : i32
    scf.if %cond3A_90 {
      %scan3A_151 = arith.constant 0 : i32
      %scan3A_152 = arith.constant 0 : i32
      %scan3A_153 = arith.constant 128 : i32
      %scan3A_154 = arith.addi %scan3A_152, %scan3A_153 : i32
      %scan3A_155 = arith.constant 1 : i32
      scf.for %scan3A_157 = %scan3A_152 to %scan3A_154 step %scan3A_155  : i32 {
        %mul3A_158 = arith.constant 16 : i32
        %mul3A_159 = arith.muli %scan3A_157, %mul3A_158 : i32
        %get3A = arith.constant 0 : i32
        %get3A_160 = arith.index_cast %get3A : i32 to index
        %get3A_161 = arith.index_cast %mul3A_159 : i32 to index
        %get3A_162 = tpu.vector_load %arg10[%get3A_160, %get3A_161] {strides = array<i32>} : memref<2x2048xi32, #tpu.memory_space<vmem>>, vector<16xi32>,
        %mul3A_163 = arith.constant 16 : i32
        %mul3A_164 = arith.muli %scan3A_157, %mul3A_163 : i32
        %get3A_165 = arith.constant 1 : i32
        %get3A_166 = arith.index_cast %get3A_165 : i32 to index
        %get3A_167 = arith.index_cast %mul3A_164 : i32 to index
        %get3A_168 = tpu.vector_load %arg10[%get3A_166, %get3A_167] {strides = array<i32>} : memref<2x2048xi32, #tpu.memory_space<vmem>>, vector<16xi32>,
        %gather3A = tpu.vector_load_idx %arg7[%get3A_162] : memref<10240xf32, #tpu.memory_space<vmem>>[vector<16xi32>], vector<16xf32>,
        %gather3A_169 = tpu.vector_load_idx %arg7[%get3A_168] : memref<10240xf32, #tpu.memory_space<vmem>>[vector<16xi32>], vector<16xf32>,
        %mul3A_170 = arith.constant 16 : i32
        %mul3A_171 = arith.muli %scan3A_157, %mul3A_170 : i32
        %get3A_172 = arith.index_cast %mul3A_171 : i32 to index
        %get3A_173 = tpu.vector_load %arg15[%get3A_172] {strides = array<i32>} : memref<2048xf32, #tpu.memory_space<vmem>>, vector<16xf32>,
        %mul3A_174 = arith.constant 16 : i32
        %mul3A_175 = arith.muli %scan3A_157, %mul3A_174 : i32
        %get3A_176 = arith.index_cast %mul3A_175 : i32 to index
        %get3A_177 = tpu.vector_load %arg20[%get3A_176] {strides = array<i32>} : memref<2048xf32, #tpu.memory_space<vmem>>, vector<16xf32>,
        %sub3A = arith.subf %gather3A_169, %gather3A : vector<16xf32>
        %ne3A = arith.constant 0.000000e+00 : f32
        %ne3A_178 = vector.broadcast %ne3A : f32 to vector<16xf32>
        %ne3A_179 = arith.cmpf one, %get3A_173, %ne3A_178 : vector<16xf32>
        %ne3A_180 = arith.constant 0.000000e+00 : f32
        %ne3A_181 = vector.broadcast %ne3A_180 : f32 to vector<16xf32>
        %ne3A_182 = arith.cmpf one, %get3A_177, %ne3A_181 : vector<16xf32>
        %select_n3A = arith.select %ne3A_179, %get3A_173, %broadcast_in_dim3A_3 : vector<16xi1>, vector<16xf32>
        %div3A = arith.divf %sub3A, %select_n3A : vector<16xf32>
        %select_n3A_183 = arith.select %ne3A_179, %div3A, %broadcast_in_dim3A_1 : vector<16xi1>, vector<16xf32>
        %select_n3A_184 = arith.select %ne3A_182, %get3A_177, %broadcast_in_dim3A_3 : vector<16xi1>, vector<16xf32>
        %div3A_185 = arith.divf %sub3A, %select_n3A_184 : vector<16xf32>
        %select_n3A_186 = arith.select %ne3A_182, %div3A_185, %broadcast_in_dim3A_1 : vector<16xi1>, vector<16xf32>
        %select_n3A_187 = arith.select %ne3A_179, %broadcast_in_dim3A_3, %broadcast_in_dim3A_1 : vector<16xi1>, vector<16xf32>
        %select_n3A_188 = arith.select %ne3A_182, %broadcast_in_dim3A_3, %broadcast_in_dim3A_1 : vector<16xi1>, vector<16xf32>
        tpu.vector_store_idx %arg23[%get3A_162], %select_n3A_183 {add = true} : memref<10240xf32, #tpu.memory_space<vmem>>[vector<16xi32>], vector<16xf32>,
        tpu.vector_store_idx %arg24[%get3A_162], %select_n3A_187 {add = true} : memref<10240xf32, #tpu.memory_space<vmem>>[vector<16xi32>], vector<16xf32>,
        tpu.vector_store_idx %arg25[%get3A_162], %select_n3A_186 {add = true} : memref<10240xf32, #tpu.memory_space<vmem>>[vector<16xi32>], vector<16xf32>,
        tpu.vector_store_idx %arg26[%get3A_162], %select_n3A_188 {add = true} : memref<10240xf32, #tpu.memory_space<vmem>>[vector<16xi32>], vector<16xf32>,
      }
      %scan3A_156 = arith.constant 128 : i32
    } else {
    }
    %add3A_91 = arith.constant 96 : i32
    %add3A_92 = arith.addi %add3A, %add3A_91 : i32
    %lt3A_93 = arith.constant 156 : i32
    %lt3A_94 = arith.cmpi slt, %add3A_92, %lt3A_93 : i32
    %convert_element_type3A_95 = arith.extui %lt3A_94 : i1 to i32
    %cond3A_96 = arith.constant 0 : i32
    %cond3A_97 = arith.cmpi ne, %convert_element_type3A_95, %cond3A_96 : i32
    scf.if %cond3A_97 {
      %add3A_151 = arith.constant 96 : i32
      %add3A_152 = arith.addi %add3A, %add3A_151 : i32
      %mul3A_153 = arith.constant 2048 : i32
      %mul3A_154 = arith.muli %add3A_152, %mul3A_153 : i32
      %dma_wait3A_155 = arith.constant 0 : i32
      %dma_wait3A_156 = tpu.memref_slice %arg3[%dma_wait3A_155, %mul3A_154] : memref<2x320000xi32, #tpu.memory_space<hbm>> -> memref<2x2048xi32, #tpu.memory_space<hbm>>
      %dma_wait3A_157 = arith.constant 0 : i32
      %dma_wait3A_158 = tpu.memref_slice %arg3[%dma_wait3A_157, %mul3A_154] : memref<2x320000xi32, #tpu.memory_space<hbm>> -> memref<2x2048xi32, #tpu.memory_space<hbm>>
      tpu.wait_dma2 semaphore(%arg30 : memref<!tpu.dma_semaphore, #tpu.memory_space<semaphore_mem>>) src(%dma_wait3A_158 : memref<2x2048xi32, #tpu.memory_space<hbm>>) dst(%arg11 : memref<2x2048xi32, #tpu.memory_space<vmem>>)
      %dma_wait3A_159 = tpu.memref_slice %arg4[%mul3A_154] : memref<320000xf32, #tpu.memory_space<hbm>> -> memref<2048xf32, #tpu.memory_space<hbm>>
      %dma_wait3A_160 = tpu.memref_slice %arg4[%mul3A_154] : memref<320000xf32, #tpu.memory_space<hbm>> -> memref<2048xf32, #tpu.memory_space<hbm>>
      tpu.wait_dma2 semaphore(%arg30 : memref<!tpu.dma_semaphore, #tpu.memory_space<semaphore_mem>>) src(%dma_wait3A_160 : memref<2048xf32, #tpu.memory_space<hbm>>) dst(%arg16 : memref<2048xf32, #tpu.memory_space<vmem>>)
      %dma_wait3A_161 = tpu.memref_slice %arg5[%mul3A_154] : memref<320000xf32, #tpu.memory_space<hbm>> -> memref<2048xf32, #tpu.memory_space<hbm>>
      %dma_wait3A_162 = tpu.memref_slice %arg5[%mul3A_154] : memref<320000xf32, #tpu.memory_space<hbm>> -> memref<2048xf32, #tpu.memory_space<hbm>>
      tpu.wait_dma2 semaphore(%arg30 : memref<!tpu.dma_semaphore, #tpu.memory_space<semaphore_mem>>) src(%dma_wait3A_162 : memref<2048xf32, #tpu.memory_space<hbm>>) dst(%arg21 : memref<2048xf32, #tpu.memory_space<vmem>>)
    } else {
    }
    %add3A_98 = arith.constant 96 : i32
    %add3A_99 = arith.addi %add3A, %add3A_98 : i32
    %lt3A_100 = arith.constant 156 : i32
    %lt3A_101 = arith.cmpi slt, %add3A_99, %lt3A_100 : i32
    %convert_element_type3A_102 = arith.extui %lt3A_101 : i1 to i32
    %cond3A_103 = arith.constant 0 : i32
    %cond3A_104 = arith.cmpi ne, %convert_element_type3A_102, %cond3A_103 : i32
    scf.if %cond3A_104 {
      %scan3A_151 = arith.constant 0 : i32
      %scan3A_152 = arith.constant 0 : i32
      %scan3A_153 = arith.constant 128 : i32
      %scan3A_154 = arith.addi %scan3A_152, %scan3A_153 : i32
      %scan3A_155 = arith.constant 1 : i32
      scf.for %scan3A_157 = %scan3A_152 to %scan3A_154 step %scan3A_155  : i32 {
        %mul3A_158 = arith.constant 16 : i32
        %mul3A_159 = arith.muli %scan3A_157, %mul3A_158 : i32
        %get3A = arith.constant 0 : i32
        %get3A_160 = arith.index_cast %get3A : i32 to index
        %get3A_161 = arith.index_cast %mul3A_159 : i32 to index
        %get3A_162 = tpu.vector_load %arg11[%get3A_160, %get3A_161] {strides = array<i32>} : memref<2x2048xi32, #tpu.memory_space<vmem>>, vector<16xi32>,
        %mul3A_163 = arith.constant 16 : i32
        %mul3A_164 = arith.muli %scan3A_157, %mul3A_163 : i32
        %get3A_165 = arith.constant 1 : i32
        %get3A_166 = arith.index_cast %get3A_165 : i32 to index
        %get3A_167 = arith.index_cast %mul3A_164 : i32 to index
        %get3A_168 = tpu.vector_load %arg11[%get3A_166, %get3A_167] {strides = array<i32>} : memref<2x2048xi32, #tpu.memory_space<vmem>>, vector<16xi32>,
        %gather3A = tpu.vector_load_idx %arg7[%get3A_162] : memref<10240xf32, #tpu.memory_space<vmem>>[vector<16xi32>], vector<16xf32>,
        %gather3A_169 = tpu.vector_load_idx %arg7[%get3A_168] : memref<10240xf32, #tpu.memory_space<vmem>>[vector<16xi32>], vector<16xf32>,
        %mul3A_170 = arith.constant 16 : i32
        %mul3A_171 = arith.muli %scan3A_157, %mul3A_170 : i32
        %get3A_172 = arith.index_cast %mul3A_171 : i32 to index
        %get3A_173 = tpu.vector_load %arg16[%get3A_172] {strides = array<i32>} : memref<2048xf32, #tpu.memory_space<vmem>>, vector<16xf32>,
        %mul3A_174 = arith.constant 16 : i32
        %mul3A_175 = arith.muli %scan3A_157, %mul3A_174 : i32
        %get3A_176 = arith.index_cast %mul3A_175 : i32 to index
        %get3A_177 = tpu.vector_load %arg21[%get3A_176] {strides = array<i32>} : memref<2048xf32, #tpu.memory_space<vmem>>, vector<16xf32>,
        %sub3A = arith.subf %gather3A_169, %gather3A : vector<16xf32>
        %ne3A = arith.constant 0.000000e+00 : f32
        %ne3A_178 = vector.broadcast %ne3A : f32 to vector<16xf32>
        %ne3A_179 = arith.cmpf one, %get3A_173, %ne3A_178 : vector<16xf32>
        %ne3A_180 = arith.constant 0.000000e+00 : f32
        %ne3A_181 = vector.broadcast %ne3A_180 : f32 to vector<16xf32>
        %ne3A_182 = arith.cmpf one, %get3A_177, %ne3A_181 : vector<16xf32>
        %select_n3A = arith.select %ne3A_179, %get3A_173, %broadcast_in_dim3A_3 : vector<16xi1>, vector<16xf32>
        %div3A = arith.divf %sub3A, %select_n3A : vector<16xf32>
        %select_n3A_183 = arith.select %ne3A_179, %div3A, %broadcast_in_dim3A_1 : vector<16xi1>, vector<16xf32>
        %select_n3A_184 = arith.select %ne3A_182, %get3A_177, %broadcast_in_dim3A_3 : vector<16xi1>, vector<16xf32>
        %div3A_185 = arith.divf %sub3A, %select_n3A_184 : vector<16xf32>
        %select_n3A_186 = arith.select %ne3A_182, %div3A_185, %broadcast_in_dim3A_1 : vector<16xi1>, vector<16xf32>
        %select_n3A_187 = arith.select %ne3A_179, %broadcast_in_dim3A_3, %broadcast_in_dim3A_1 : vector<16xi1>, vector<16xf32>
        %select_n3A_188 = arith.select %ne3A_182, %broadcast_in_dim3A_3, %broadcast_in_dim3A_1 : vector<16xi1>, vector<16xf32>
        tpu.vector_store_idx %arg23[%get3A_162], %select_n3A_183 {add = true} : memref<10240xf32, #tpu.memory_space<vmem>>[vector<16xi32>], vector<16xf32>,
        tpu.vector_store_idx %arg24[%get3A_162], %select_n3A_187 {add = true} : memref<10240xf32, #tpu.memory_space<vmem>>[vector<16xi32>], vector<16xf32>,
        tpu.vector_store_idx %arg25[%get3A_162], %select_n3A_186 {add = true} : memref<10240xf32, #tpu.memory_space<vmem>>[vector<16xi32>], vector<16xf32>,
        tpu.vector_store_idx %arg26[%get3A_162], %select_n3A_188 {add = true} : memref<10240xf32, #tpu.memory_space<vmem>>[vector<16xi32>], vector<16xf32>,
      }
      %scan3A_156 = arith.constant 128 : i32
    } else {
    }
    %add3A_105 = arith.constant 128 : i32
    %add3A_106 = arith.addi %add3A, %add3A_105 : i32
    %lt3A_107 = arith.constant 156 : i32
    %lt3A_108 = arith.cmpi slt, %add3A_106, %lt3A_107 : i32
    %convert_element_type3A_109 = arith.extui %lt3A_108 : i1 to i32
    %cond3A_110 = arith.constant 0 : i32
    %cond3A_111 = arith.cmpi ne, %convert_element_type3A_109, %cond3A_110 : i32
    scf.if %cond3A_111 {
      %add3A_151 = arith.constant 128 : i32
      %add3A_152 = arith.addi %add3A, %add3A_151 : i32
      %mul3A_153 = arith.constant 2048 : i32
      %mul3A_154 = arith.muli %add3A_152, %mul3A_153 : i32
      %dma_wait3A_155 = arith.constant 0 : i32
      %dma_wait3A_156 = tpu.memref_slice %arg3[%dma_wait3A_155, %mul3A_154] : memref<2x320000xi32, #tpu.memory_space<hbm>> -> memref<2x2048xi32, #tpu.memory_space<hbm>>
      %dma_wait3A_157 = arith.constant 0 : i32
      %dma_wait3A_158 = tpu.memref_slice %arg3[%dma_wait3A_157, %mul3A_154] : memref<2x320000xi32, #tpu.memory_space<hbm>> -> memref<2x2048xi32, #tpu.memory_space<hbm>>
      tpu.wait_dma2 semaphore(%arg31 : memref<!tpu.dma_semaphore, #tpu.memory_space<semaphore_mem>>) src(%dma_wait3A_158 : memref<2x2048xi32, #tpu.memory_space<hbm>>) dst(%arg12 : memref<2x2048xi32, #tpu.memory_space<vmem>>)
      %dma_wait3A_159 = tpu.memref_slice %arg4[%mul3A_154] : memref<320000xf32, #tpu.memory_space<hbm>> -> memref<2048xf32, #tpu.memory_space<hbm>>
      %dma_wait3A_160 = tpu.memref_slice %arg4[%mul3A_154] : memref<320000xf32, #tpu.memory_space<hbm>> -> memref<2048xf32, #tpu.memory_space<hbm>>
      tpu.wait_dma2 semaphore(%arg31 : memref<!tpu.dma_semaphore, #tpu.memory_space<semaphore_mem>>) src(%dma_wait3A_160 : memref<2048xf32, #tpu.memory_space<hbm>>) dst(%arg17 : memref<2048xf32, #tpu.memory_space<vmem>>)
      %dma_wait3A_161 = tpu.memref_slice %arg5[%mul3A_154] : memref<320000xf32, #tpu.memory_space<hbm>> -> memref<2048xf32, #tpu.memory_space<hbm>>
      %dma_wait3A_162 = tpu.memref_slice %arg5[%mul3A_154] : memref<320000xf32, #tpu.memory_space<hbm>> -> memref<2048xf32, #tpu.memory_space<hbm>>
      tpu.wait_dma2 semaphore(%arg31 : memref<!tpu.dma_semaphore, #tpu.memory_space<semaphore_mem>>) src(%dma_wait3A_162 : memref<2048xf32, #tpu.memory_space<hbm>>) dst(%arg22 : memref<2048xf32, #tpu.memory_space<vmem>>)
    } else {
    }
    %add3A_112 = arith.constant 128 : i32
    %add3A_113 = arith.addi %add3A, %add3A_112 : i32
    %lt3A_114 = arith.constant 156 : i32
    %lt3A_115 = arith.cmpi slt, %add3A_113, %lt3A_114 : i32
    %convert_element_type3A_116 = arith.extui %lt3A_115 : i1 to i32
    %cond3A_117 = arith.constant 0 : i32
    %cond3A_118 = arith.cmpi ne, %convert_element_type3A_116, %cond3A_117 : i32
    scf.if %cond3A_118 {
      %scan3A_151 = arith.constant 0 : i32
      %scan3A_152 = arith.constant 0 : i32
      %scan3A_153 = arith.constant 128 : i32
      %scan3A_154 = arith.addi %scan3A_152, %scan3A_153 : i32
      %scan3A_155 = arith.constant 1 : i32
      scf.for %scan3A_157 = %scan3A_152 to %scan3A_154 step %scan3A_155  : i32 {
        %mul3A_158 = arith.constant 16 : i32
        %mul3A_159 = arith.muli %scan3A_157, %mul3A_158 : i32
        %get3A = arith.constant 0 : i32
        %get3A_160 = arith.index_cast %get3A : i32 to index
        %get3A_161 = arith.index_cast %mul3A_159 : i32 to index
        %get3A_162 = tpu.vector_load %arg12[%get3A_160, %get3A_161] {strides = array<i32>} : memref<2x2048xi32, #tpu.memory_space<vmem>>, vector<16xi32>,
        %mul3A_163 = arith.constant 16 : i32
        %mul3A_164 = arith.muli %scan3A_157, %mul3A_163 : i32
        %get3A_165 = arith.constant 1 : i32
        %get3A_166 = arith.index_cast %get3A_165 : i32 to index
        %get3A_167 = arith.index_cast %mul3A_164 : i32 to index
        %get3A_168 = tpu.vector_load %arg12[%get3A_166, %get3A_167] {strides = array<i32>} : memref<2x2048xi32, #tpu.memory_space<vmem>>, vector<16xi32>,
        %gather3A = tpu.vector_load_idx %arg7[%get3A_162] : memref<10240xf32, #tpu.memory_space<vmem>>[vector<16xi32>], vector<16xf32>,
        %gather3A_169 = tpu.vector_load_idx %arg7[%get3A_168] : memref<10240xf32, #tpu.memory_space<vmem>>[vector<16xi32>], vector<16xf32>,
        %mul3A_170 = arith.constant 16 : i32
        %mul3A_171 = arith.muli %scan3A_157, %mul3A_170 : i32
        %get3A_172 = arith.index_cast %mul3A_171 : i32 to index
        %get3A_173 = tpu.vector_load %arg17[%get3A_172] {strides = array<i32>} : memref<2048xf32, #tpu.memory_space<vmem>>, vector<16xf32>,
        %mul3A_174 = arith.constant 16 : i32
        %mul3A_175 = arith.muli %scan3A_157, %mul3A_174 : i32
        %get3A_176 = arith.index_cast %mul3A_175 : i32 to index
        %get3A_177 = tpu.vector_load %arg22[%get3A_176] {strides = array<i32>} : memref<2048xf32, #tpu.memory_space<vmem>>, vector<16xf32>,
        %sub3A = arith.subf %gather3A_169, %gather3A : vector<16xf32>
        %ne3A = arith.constant 0.000000e+00 : f32
        %ne3A_178 = vector.broadcast %ne3A : f32 to vector<16xf32>
        %ne3A_179 = arith.cmpf one, %get3A_173, %ne3A_178 : vector<16xf32>
        %ne3A_180 = arith.constant 0.000000e+00 : f32
        %ne3A_181 = vector.broadcast %ne3A_180 : f32 to vector<16xf32>
        %ne3A_182 = arith.cmpf one, %get3A_177, %ne3A_181 : vector<16xf32>
        %select_n3A = arith.select %ne3A_179, %get3A_173, %broadcast_in_dim3A_3 : vector<16xi1>, vector<16xf32>
        %div3A = arith.divf %sub3A, %select_n3A : vector<16xf32>
        %select_n3A_183 = arith.select %ne3A_179, %div3A, %broadcast_in_dim3A_1 : vector<16xi1>, vector<16xf32>
        %select_n3A_184 = arith.select %ne3A_182, %get3A_177, %broadcast_in_dim3A_3 : vector<16xi1>, vector<16xf32>
        %div3A_185 = arith.divf %sub3A, %select_n3A_184 : vector<16xf32>
        %select_n3A_186 = arith.select %ne3A_182, %div3A_185, %broadcast_in_dim3A_1 : vector<16xi1>, vector<16xf32>
        %select_n3A_187 = arith.select %ne3A_179, %broadcast_in_dim3A_3, %broadcast_in_dim3A_1 : vector<16xi1>, vector<16xf32>
        %select_n3A_188 = arith.select %ne3A_182, %broadcast_in_dim3A_3, %broadcast_in_dim3A_1 : vector<16xi1>, vector<16xf32>
        tpu.vector_store_idx %arg23[%get3A_162], %select_n3A_183 {add = true} : memref<10240xf32, #tpu.memory_space<vmem>>[vector<16xi32>], vector<16xf32>,
        tpu.vector_store_idx %arg24[%get3A_162], %select_n3A_187 {add = true} : memref<10240xf32, #tpu.memory_space<vmem>>[vector<16xi32>], vector<16xf32>,
        tpu.vector_store_idx %arg25[%get3A_162], %select_n3A_186 {add = true} : memref<10240xf32, #tpu.memory_space<vmem>>[vector<16xi32>], vector<16xf32>,
        tpu.vector_store_idx %arg26[%get3A_162], %select_n3A_188 {add = true} : memref<10240xf32, #tpu.memory_space<vmem>>[vector<16xi32>], vector<16xf32>,
      }
      %scan3A_156 = arith.constant 128 : i32
    } else {
    }
    %eq3A = arith.constant 28 : i32
    %eq3A_119 = arith.cmpi eq, %add3A, %eq3A : i32
    %convert_element_type3A_120 = arith.extui %eq3A_119 : i1 to i32
    %cond3A_121 = arith.constant 0 : i32
    %cond3A_122 = arith.cmpi ne, %convert_element_type3A_120, %cond3A_121 : i32
    scf.if %cond3A_122 {
      "tpu.region"() ({
        %run_scoped3A = tpu.sem_alloc : memref<!tpu.dma_semaphore, #tpu.memory_space<semaphore_mem>>
        %dma_start3A_157 = arith.constant 0 : i32
        %dma_start3A_158 = arith.constant 0 : i32
        %dma_start3A_159 = tpu.memref_slice %arg8[%dma_start3A_157, %dma_start3A_158] : memref<2x2048xi32, #tpu.memory_space<vmem>> -> memref<2x512xi32, #tpu.memory_space<vmem>>
        %dma_start3A_160 = arith.constant 0 : i32
        %dma_start3A_161 = arith.constant 319488 : i32
        %dma_start3A_162 = tpu.memref_slice %arg3[%dma_start3A_160, %dma_start3A_161] : memref<2x320000xi32, #tpu.memory_space<hbm>> -> memref<2x512xi32, #tpu.memory_space<hbm>>
        %dma_start3A_163 = arith.constant 0 : i32
        %dma_start3A_164 = arith.constant 0 : i32
        %dma_start3A_165 = tpu.memref_slice %arg8[%dma_start3A_163, %dma_start3A_164] : memref<2x2048xi32, #tpu.memory_space<vmem>> -> memref<2x512xi32, #tpu.memory_space<vmem>>
        %dma_start3A_166 = arith.constant 0 : i32
        %dma_start3A_167 = arith.constant 319488 : i32
        %dma_start3A_168 = tpu.memref_slice %arg3[%dma_start3A_166, %dma_start3A_167] : memref<2x320000xi32, #tpu.memory_space<hbm>> -> memref<2x512xi32, #tpu.memory_space<hbm>>
        tpu.enqueue_dma source(%dma_start3A_168 : memref<2x512xi32, #tpu.memory_space<hbm>>) target(%dma_start3A_165 : memref<2x512xi32, #tpu.memory_space<vmem>>) target_semaphore(%run_scoped3A : memref<!tpu.dma_semaphore, #tpu.memory_space<semaphore_mem>>)
        %dma_wait3A_169 = arith.constant 0 : i32
        %dma_wait3A_170 = arith.constant 0 : i32
        %dma_wait3A_171 = tpu.memref_slice %arg8[%dma_wait3A_169, %dma_wait3A_170] : memref<2x2048xi32, #tpu.memory_space<vmem>> -> memref<2x512xi32, #tpu.memory_space<vmem>>
        %dma_wait3A_172 = arith.constant 0 : i32
        %dma_wait3A_173 = arith.constant 319488 : i32
        %dma_wait3A_174 = tpu.memref_slice %arg3[%dma_wait3A_172, %dma_wait3A_173] : memref<2x320000xi32, #tpu.memory_space<hbm>> -> memref<2x512xi32, #tpu.memory_space<hbm>>
        %dma_wait3A_175 = arith.constant 0 : i32
        %dma_wait3A_176 = arith.constant 0 : i32
        %dma_wait3A_177 = tpu.memref_slice %arg8[%dma_wait3A_175, %dma_wait3A_176] : memref<2x2048xi32, #tpu.memory_space<vmem>> -> memref<2x512xi32, #tpu.memory_space<vmem>>
        %dma_wait3A_178 = arith.constant 0 : i32
        %dma_wait3A_179 = arith.constant 319488 : i32
        %dma_wait3A_180 = tpu.memref_slice %arg3[%dma_wait3A_178, %dma_wait3A_179] : memref<2x320000xi32, #tpu.memory_space<hbm>> -> memref<2x512xi32, #tpu.memory_space<hbm>>
        tpu.wait_dma2 semaphore(%run_scoped3A : memref<!tpu.dma_semaphore, #tpu.memory_space<semaphore_mem>>) src(%dma_wait3A_180 : memref<2x512xi32, #tpu.memory_space<hbm>>) dst(%dma_wait3A_177 : memref<2x512xi32, #tpu.memory_space<vmem>>)
        tpu.yield
      }) : () -> ()
      "tpu.region"() ({
        %run_scoped3A = tpu.sem_alloc : memref<!tpu.dma_semaphore, #tpu.memory_space<semaphore_mem>>
        %dma_start3A_157 = arith.constant 0 : i32
        %dma_start3A_158 = tpu.memref_slice %arg13[%dma_start3A_157] : memref<2048xf32, #tpu.memory_space<vmem>> -> memref<512xf32, #tpu.memory_space<vmem>>
        %dma_start3A_159 = arith.constant 319488 : i32
        %dma_start3A_160 = tpu.memref_slice %arg4[%dma_start3A_159] : memref<320000xf32, #tpu.memory_space<hbm>> -> memref<512xf32, #tpu.memory_space<hbm>>
        %dma_start3A_161 = arith.constant 0 : i32
        %dma_start3A_162 = tpu.memref_slice %arg13[%dma_start3A_161] : memref<2048xf32, #tpu.memory_space<vmem>> -> memref<512xf32, #tpu.memory_space<vmem>>
        %dma_start3A_163 = arith.constant 319488 : i32
        %dma_start3A_164 = tpu.memref_slice %arg4[%dma_start3A_163] : memref<320000xf32, #tpu.memory_space<hbm>> -> memref<512xf32, #tpu.memory_space<hbm>>
        tpu.enqueue_dma source(%dma_start3A_164 : memref<512xf32, #tpu.memory_space<hbm>>) target(%dma_start3A_162 : memref<512xf32, #tpu.memory_space<vmem>>) target_semaphore(%run_scoped3A : memref<!tpu.dma_semaphore, #tpu.memory_space<semaphore_mem>>)
        %dma_wait3A_165 = arith.constant 0 : i32
        %dma_wait3A_166 = tpu.memref_slice %arg13[%dma_wait3A_165] : memref<2048xf32, #tpu.memory_space<vmem>> -> memref<512xf32, #tpu.memory_space<vmem>>
        %dma_wait3A_167 = arith.constant 319488 : i32
        %dma_wait3A_168 = tpu.memref_slice %arg4[%dma_wait3A_167] : memref<320000xf32, #tpu.memory_space<hbm>> -> memref<512xf32, #tpu.memory_space<hbm>>
        %dma_wait3A_169 = arith.constant 0 : i32
        %dma_wait3A_170 = tpu.memref_slice %arg13[%dma_wait3A_169] : memref<2048xf32, #tpu.memory_space<vmem>> -> memref<512xf32, #tpu.memory_space<vmem>>
        %dma_wait3A_171 = arith.constant 319488 : i32
        %dma_wait3A_172 = tpu.memref_slice %arg4[%dma_wait3A_171] : memref<320000xf32, #tpu.memory_space<hbm>> -> memref<512xf32, #tpu.memory_space<hbm>>
        tpu.wait_dma2 semaphore(%run_scoped3A : memref<!tpu.dma_semaphore, #tpu.memory_space<semaphore_mem>>) src(%dma_wait3A_172 : memref<512xf32, #tpu.memory_space<hbm>>) dst(%dma_wait3A_170 : memref<512xf32, #tpu.memory_space<vmem>>)
        tpu.yield
      }) : () -> ()
      "tpu.region"() ({
        %run_scoped3A = tpu.sem_alloc : memref<!tpu.dma_semaphore, #tpu.memory_space<semaphore_mem>>
        %dma_start3A_157 = arith.constant 0 : i32
        %dma_start3A_158 = tpu.memref_slice %arg18[%dma_start3A_157] : memref<2048xf32, #tpu.memory_space<vmem>> -> memref<512xf32, #tpu.memory_space<vmem>>
        %dma_start3A_159 = arith.constant 319488 : i32
        %dma_start3A_160 = tpu.memref_slice %arg5[%dma_start3A_159] : memref<320000xf32, #tpu.memory_space<hbm>> -> memref<512xf32, #tpu.memory_space<hbm>>
        %dma_start3A_161 = arith.constant 0 : i32
        %dma_start3A_162 = tpu.memref_slice %arg18[%dma_start3A_161] : memref<2048xf32, #tpu.memory_space<vmem>> -> memref<512xf32, #tpu.memory_space<vmem>>
        %dma_start3A_163 = arith.constant 319488 : i32
        %dma_start3A_164 = tpu.memref_slice %arg5[%dma_start3A_163] : memref<320000xf32, #tpu.memory_space<hbm>> -> memref<512xf32, #tpu.memory_space<hbm>>
        tpu.enqueue_dma source(%dma_start3A_164 : memref<512xf32, #tpu.memory_space<hbm>>) target(%dma_start3A_162 : memref<512xf32, #tpu.memory_space<vmem>>) target_semaphore(%run_scoped3A : memref<!tpu.dma_semaphore, #tpu.memory_space<semaphore_mem>>)
        %dma_wait3A_165 = arith.constant 0 : i32
        %dma_wait3A_166 = tpu.memref_slice %arg18[%dma_wait3A_165] : memref<2048xf32, #tpu.memory_space<vmem>> -> memref<512xf32, #tpu.memory_space<vmem>>
        %dma_wait3A_167 = arith.constant 319488 : i32
        %dma_wait3A_168 = tpu.memref_slice %arg5[%dma_wait3A_167] : memref<320000xf32, #tpu.memory_space<hbm>> -> memref<512xf32, #tpu.memory_space<hbm>>
        %dma_wait3A_169 = arith.constant 0 : i32
        %dma_wait3A_170 = tpu.memref_slice %arg18[%dma_wait3A_169] : memref<2048xf32, #tpu.memory_space<vmem>> -> memref<512xf32, #tpu.memory_space<vmem>>
        %dma_wait3A_171 = arith.constant 319488 : i32
        %dma_wait3A_172 = tpu.memref_slice %arg5[%dma_wait3A_171] : memref<320000xf32, #tpu.memory_space<hbm>> -> memref<512xf32, #tpu.memory_space<hbm>>
        tpu.wait_dma2 semaphore(%run_scoped3A : memref<!tpu.dma_semaphore, #tpu.memory_space<semaphore_mem>>) src(%dma_wait3A_172 : memref<512xf32, #tpu.memory_space<hbm>>) dst(%dma_wait3A_170 : memref<512xf32, #tpu.memory_space<vmem>>)
        tpu.yield
      }) : () -> ()
      %scan3A_151 = arith.constant 0 : i32
      %scan3A_152 = arith.constant 0 : i32
      %scan3A_153 = arith.constant 32 : i32
      %scan3A_154 = arith.addi %scan3A_152, %scan3A_153 : i32
      %scan3A_155 = arith.constant 1 : i32
      scf.for %scan3A_157 = %scan3A_152 to %scan3A_154 step %scan3A_155  : i32 {
        %mul3A_158 = arith.constant 16 : i32
        %mul3A_159 = arith.muli %scan3A_157, %mul3A_158 : i32
        %get3A = arith.constant 0 : i32
        %get3A_160 = arith.index_cast %get3A : i32 to index
        %get3A_161 = arith.index_cast %mul3A_159 : i32 to index
        %get3A_162 = tpu.vector_load %arg8[%get3A_160, %get3A_161] {strides = array<i32>} : memref<2x2048xi32, #tpu.memory_space<vmem>>, vector<16xi32>,
        %mul3A_163 = arith.constant 16 : i32
        %mul3A_164 = arith.muli %scan3A_157, %mul3A_163 : i32
        %get3A_165 = arith.constant 1 : i32
        %get3A_166 = arith.index_cast %get3A_165 : i32 to index
        %get3A_167 = arith.index_cast %mul3A_164 : i32 to index
        %get3A_168 = tpu.vector_load %arg8[%get3A_166, %get3A_167] {strides = array<i32>} : memref<2x2048xi32, #tpu.memory_space<vmem>>, vector<16xi32>,
        %gather3A = tpu.vector_load_idx %arg7[%get3A_162] : memref<10240xf32, #tpu.memory_space<vmem>>[vector<16xi32>], vector<16xf32>,
        %gather3A_169 = tpu.vector_load_idx %arg7[%get3A_168] : memref<10240xf32, #tpu.memory_space<vmem>>[vector<16xi32>], vector<16xf32>,
        %mul3A_170 = arith.constant 16 : i32
        %mul3A_171 = arith.muli %scan3A_157, %mul3A_170 : i32
        %get3A_172 = arith.index_cast %mul3A_171 : i32 to index
        %get3A_173 = tpu.vector_load %arg13[%get3A_172] {strides = array<i32>} : memref<2048xf32, #tpu.memory_space<vmem>>, vector<16xf32>,
        %mul3A_174 = arith.constant 16 : i32
        %mul3A_175 = arith.muli %scan3A_157, %mul3A_174 : i32
        %get3A_176 = arith.index_cast %mul3A_175 : i32 to index
        %get3A_177 = tpu.vector_load %arg18[%get3A_176] {strides = array<i32>} : memref<2048xf32, #tpu.memory_space<vmem>>, vector<16xf32>,
        %sub3A = arith.subf %gather3A_169, %gather3A : vector<16xf32>
        %ne3A = arith.constant 0.000000e+00 : f32
        %ne3A_178 = vector.broadcast %ne3A : f32 to vector<16xf32>
        %ne3A_179 = arith.cmpf one, %get3A_173, %ne3A_178 : vector<16xf32>
        %ne3A_180 = arith.constant 0.000000e+00 : f32
        %ne3A_181 = vector.broadcast %ne3A_180 : f32 to vector<16xf32>
        %ne3A_182 = arith.cmpf one, %get3A_177, %ne3A_181 : vector<16xf32>
        %select_n3A = arith.select %ne3A_179, %get3A_173, %broadcast_in_dim3A_3 : vector<16xi1>, vector<16xf32>
        %div3A = arith.divf %sub3A, %select_n3A : vector<16xf32>
        %select_n3A_183 = arith.select %ne3A_179, %div3A, %broadcast_in_dim3A_1 : vector<16xi1>, vector<16xf32>
        %select_n3A_184 = arith.select %ne3A_182, %get3A_177, %broadcast_in_dim3A_3 : vector<16xi1>, vector<16xf32>
        %div3A_185 = arith.divf %sub3A, %select_n3A_184 : vector<16xf32>
        %select_n3A_186 = arith.select %ne3A_182, %div3A_185, %broadcast_in_dim3A_1 : vector<16xi1>, vector<16xf32>
        %select_n3A_187 = arith.select %ne3A_179, %broadcast_in_dim3A_3, %broadcast_in_dim3A_1 : vector<16xi1>, vector<16xf32>
        %select_n3A_188 = arith.select %ne3A_182, %broadcast_in_dim3A_3, %broadcast_in_dim3A_1 : vector<16xi1>, vector<16xf32>
        tpu.vector_store_idx %arg23[%get3A_162], %select_n3A_183 {add = true} : memref<10240xf32, #tpu.memory_space<vmem>>[vector<16xi32>], vector<16xf32>,
        tpu.vector_store_idx %arg24[%get3A_162], %select_n3A_187 {add = true} : memref<10240xf32, #tpu.memory_space<vmem>>[vector<16xi32>], vector<16xf32>,
        tpu.vector_store_idx %arg25[%get3A_162], %select_n3A_186 {add = true} : memref<10240xf32, #tpu.memory_space<vmem>>[vector<16xi32>], vector<16xf32>,
        tpu.vector_store_idx %arg26[%get3A_162], %select_n3A_188 {add = true} : memref<10240xf32, #tpu.memory_space<vmem>>[vector<16xi32>], vector<16xf32>,
      }
      %scan3A_156 = arith.constant 32 : i32
    } else {
    }
    %mul3A_123 = arith.constant 4 : i32
    %mul3A_124 = arith.muli %add3A, %mul3A_123 : i32
    %mul3A_125 = arith.constant 10240 : i32
    %mul3A_126 = arith.muli %mul3A_124, %mul3A_125 : i32
    %add3A_127 = arith.constant 0 : i32
    %add3A_128 = arith.addi %mul3A_126, %add3A_127 : i32
    %add3A_129 = arith.constant 10240 : i32
    %add3A_130 = arith.addi %mul3A_126, %add3A_129 : i32
    %add3A_131 = arith.constant 20480 : i32
    %add3A_132 = arith.addi %mul3A_126, %add3A_131 : i32
    %add3A_133 = arith.constant 30720 : i32
    %add3A_134 = arith.addi %mul3A_126, %add3A_133 : i32
    %dma_start3A_135 = tpu.memref_slice %arg6[%add3A_128] : memref<1310720xf32, #tpu.memory_space<hbm>> -> memref<10240xf32, #tpu.memory_space<hbm>>
    %dma_start3A_136 = tpu.memref_slice %arg6[%add3A_128] : memref<1310720xf32, #tpu.memory_space<hbm>> -> memref<10240xf32, #tpu.memory_space<hbm>>
    tpu.enqueue_dma source(%arg23 : memref<10240xf32, #tpu.memory_space<vmem>>) target(%dma_start3A_136 : memref<10240xf32, #tpu.memory_space<hbm>>) target_semaphore(%arg32 : memref<!tpu.dma_semaphore, #tpu.memory_space<semaphore_mem>>)
    %dma_start3A_137 = tpu.memref_slice %arg6[%add3A_130] : memref<1310720xf32, #tpu.memory_space<hbm>> -> memref<10240xf32, #tpu.memory_space<hbm>>
    %dma_start3A_138 = tpu.memref_slice %arg6[%add3A_130] : memref<1310720xf32, #tpu.memory_space<hbm>> -> memref<10240xf32, #tpu.memory_space<hbm>>
    tpu.enqueue_dma source(%arg24 : memref<10240xf32, #tpu.memory_space<vmem>>) target(%dma_start3A_138 : memref<10240xf32, #tpu.memory_space<hbm>>) target_semaphore(%arg32 : memref<!tpu.dma_semaphore, #tpu.memory_space<semaphore_mem>>)
    %dma_start3A_139 = tpu.memref_slice %arg6[%add3A_132] : memref<1310720xf32, #tpu.memory_space<hbm>> -> memref<10240xf32, #tpu.memory_space<hbm>>
    %dma_start3A_140 = tpu.memref_slice %arg6[%add3A_132] : memref<1310720xf32, #tpu.memory_space<hbm>> -> memref<10240xf32, #tpu.memory_space<hbm>>
    tpu.enqueue_dma source(%arg25 : memref<10240xf32, #tpu.memory_space<vmem>>) target(%dma_start3A_140 : memref<10240xf32, #tpu.memory_space<hbm>>) target_semaphore(%arg32 : memref<!tpu.dma_semaphore, #tpu.memory_space<semaphore_mem>>)
    %dma_start3A_141 = tpu.memref_slice %arg6[%add3A_134] : memref<1310720xf32, #tpu.memory_space<hbm>> -> memref<10240xf32, #tpu.memory_space<hbm>>
    %dma_start3A_142 = tpu.memref_slice %arg6[%add3A_134] : memref<1310720xf32, #tpu.memory_space<hbm>> -> memref<10240xf32, #tpu.memory_space<hbm>>
    tpu.enqueue_dma source(%arg26 : memref<10240xf32, #tpu.memory_space<vmem>>) target(%dma_start3A_142 : memref<10240xf32, #tpu.memory_space<hbm>>) target_semaphore(%arg32 : memref<!tpu.dma_semaphore, #tpu.memory_space<semaphore_mem>>)
    %dma_wait3A_143 = tpu.memref_slice %arg6[%add3A_128] : memref<1310720xf32, #tpu.memory_space<hbm>> -> memref<10240xf32, #tpu.memory_space<hbm>>
    %dma_wait3A_144 = tpu.memref_slice %arg6[%add3A_128] : memref<1310720xf32, #tpu.memory_space<hbm>> -> memref<10240xf32, #tpu.memory_space<hbm>>
    tpu.wait_dma2 semaphore(%arg32 : memref<!tpu.dma_semaphore, #tpu.memory_space<semaphore_mem>>) src(%arg23 : memref<10240xf32, #tpu.memory_space<vmem>>) dst(%dma_wait3A_144 : memref<10240xf32, #tpu.memory_space<hbm>>)
    %dma_wait3A_145 = tpu.memref_slice %arg6[%add3A_130] : memref<1310720xf32, #tpu.memory_space<hbm>> -> memref<10240xf32, #tpu.memory_space<hbm>>
    %dma_wait3A_146 = tpu.memref_slice %arg6[%add3A_130] : memref<1310720xf32, #tpu.memory_space<hbm>> -> memref<10240xf32, #tpu.memory_space<hbm>>
    tpu.wait_dma2 semaphore(%arg32 : memref<!tpu.dma_semaphore, #tpu.memory_space<semaphore_mem>>) src(%arg24 : memref<10240xf32, #tpu.memory_space<vmem>>) dst(%dma_wait3A_146 : memref<10240xf32, #tpu.memory_space<hbm>>)
    %dma_wait3A_147 = tpu.memref_slice %arg6[%add3A_132] : memref<1310720xf32, #tpu.memory_space<hbm>> -> memref<10240xf32, #tpu.memory_space<hbm>>
    %dma_wait3A_148 = tpu.memref_slice %arg6[%add3A_132] : memref<1310720xf32, #tpu.memory_space<hbm>> -> memref<10240xf32, #tpu.memory_space<hbm>>
    tpu.wait_dma2 semaphore(%arg32 : memref<!tpu.dma_semaphore, #tpu.memory_space<semaphore_mem>>) src(%arg25 : memref<10240xf32, #tpu.memory_space<vmem>>) dst(%dma_wait3A_148 : memref<10240xf32, #tpu.memory_space<hbm>>)
    %dma_wait3A_149 = tpu.memref_slice %arg6[%add3A_134] : memref<1310720xf32, #tpu.memory_space<hbm>> -> memref<10240xf32, #tpu.memory_space<hbm>>
    %dma_wait3A_150 = tpu.memref_slice %arg6[%add3A_134] : memref<1310720xf32, #tpu.memory_space<hbm>> -> memref<10240xf32, #tpu.memory_space<hbm>>
    tpu.wait_dma2 semaphore(%arg32 : memref<!tpu.dma_semaphore, #tpu.memory_space<semaphore_mem>>) src(%arg26 : memref<10240xf32, #tpu.memory_space<vmem>>) dst(%dma_wait3A_150 : memref<10240xf32, #tpu.memory_space<hbm>>)
    return
  }
}

module attributes {stable_mosaic.version = 14 : i64} {
  func.func @_tc_reduce(%arg0: memref<1310720xf32, #tpu.memory_space<vmem>>, %arg1: memref<2x10240xf32, #tpu.memory_space<vmem>>) attributes {dimension_semantics = [], scalar_prefetch = 0 : i64, scratch_operands = 0 : i64, tpu.core_type = #tpu.core_type<tc>} {
    %get3A = arith.constant 0 : index
    %get3A_0 = vector.load %arg0[%get3A] : memref<1310720xf32, #tpu.memory_space<vmem>>, vector<1310720xf32>
    %reshape3A = vector.shape_cast %get3A_0 : vector<1310720xf32> to vector<32x4x10240xf32>
    %reduce_sum3A = arith.constant dense<0.000000e+00> : vector<4x10240xf32>
    %reduce_sum3A_1 = vector.multi_reduction <add>, %reshape3A, %reduce_sum3A [0] : vector<32x4x10240xf32> to vector<4x10240xf32>
    %slice3A = vector.extract_strided_slice %reduce_sum3A_1 {offsets = [0, 0], sizes = [1, 10240], strides = [1, 1]} : vector<4x10240xf32> to vector<1x10240xf32>
    %slice3A_2 = vector.extract_strided_slice %reduce_sum3A_1 {offsets = [1, 0], sizes = [1, 10240], strides = [1, 1]} : vector<4x10240xf32> to vector<1x10240xf32>
    %max3A = arith.constant 1.000000e+00 : f32
    %max3A_3 = vector.broadcast %max3A : f32 to vector<1x10240xf32>
    %max3A_4 = arith.maximumf %slice3A_2, %max3A_3 : vector<1x10240xf32>
    %div3A = arith.divf %slice3A, %max3A_4 : vector<1x10240xf32>
    %slice3A_5 = vector.extract_strided_slice %reduce_sum3A_1 {offsets = [2, 0], sizes = [1, 10240], strides = [1, 1]} : vector<4x10240xf32> to vector<1x10240xf32>
    %slice3A_6 = vector.extract_strided_slice %reduce_sum3A_1 {offsets = [3, 0], sizes = [1, 10240], strides = [1, 1]} : vector<4x10240xf32> to vector<1x10240xf32>
    %max3A_7 = arith.constant 1.000000e+00 : f32
    %max3A_8 = vector.broadcast %max3A_7 : f32 to vector<1x10240xf32>
    %max3A_9 = arith.maximumf %slice3A_6, %max3A_8 : vector<1x10240xf32>
    %div3A_10 = arith.divf %slice3A_5, %max3A_9 : vector<1x10240xf32>
    %swap3A = arith.constant 0 : index
    %swap3A_11 = arith.constant 0 : index
    %swap3A_12 = vector.load %arg1[%swap3A, %swap3A_11] : memref<2x10240xf32, #tpu.memory_space<vmem>>, vector<1x10240xf32>
    tpu.vector_store %arg1[%swap3A, %swap3A_11], %div3A {strides = array<i32>} : memref<2x10240xf32, #tpu.memory_space<vmem>>, vector<1x10240xf32>,
    %swap3A_13 = arith.constant 1 : index
    %swap3A_14 = arith.constant 0 : index
    %swap3A_15 = vector.load %arg1[%swap3A_13, %swap3A_14] : memref<2x10240xf32, #tpu.memory_space<vmem>>, vector<1x10240xf32>
    tpu.vector_store %arg1[%swap3A_13, %swap3A_14], %div3A_10 {strides = array<i32>} : memref<2x10240xf32, #tpu.memory_space<vmem>>, vector<1x10240xf32>,
    return
  }
}

</mosaic_0001>

<sc_bundles>
// kernel: kernel.4.cloned.1.call-start
scs
__scs_entry_jumppad:
0x0: {  	(pc) =	sbr.rel $0x88, $3  }
0x1: {  	(tag) =	ssettag $0x0;
	lr =	simm.s32 $0x1  }
0x2: {  	[smem:$0x3F9E] =	sst lr;
	_ =	strace $0xD0000000  }
0x3: {  	_ = 	snop  }
0x4: {  	_ = 	snop  }
0x5: {  	_ = 	snop  }
0x6: {  	_ = 	snop  }
0x7: {  	_ = 	snop  }
__scs_overlays_trampoline_lowered:
0x8: {  	[smem:$0x3FAD] =	sst s0  }
0x9: {  	[smem:$0x3FAE] =	sst s1  }
0xa: {  	[smem:$0x3FAF] =	sst s2  }
0xb: {  	[smem:$0x3FB0] =	sst s3  }
0xc: {  	[smem:$0x3FB1] =	sst s4  }
0xd: {  	[smem:$0x3FB2] =	sst s5  }
0xe: {  	[smem:$0x3FB3] =	sst s6  }
0xf: {  	[smem:$0x3FB4] =	sst s7  }
0x10: {  	[smem:$0x3FB5] =	sst s8  }
0x11: {  	[smem:$0x3FB6] =	sst s9;
	s0 =	simm.s32 @!p0 $0x0  }
0x12: {  	s1 =	sld [smem:$0x3F9C];
	s0 =	simm.s32 @p0 $0x1  }
0x13: {  	[smem:$0x3FB7] =	sst s0;
	s0 =	simm.s32 @!p1 $0x0  }
0x14: {  	s2 =	sld [smem:$0x3F9B];
	s0 =	simm.s32 @p1 $0x1  }
0x15: {  	[smem:$0x3FB8] =	sst s0;
	s0 =	simm.s32 @!p2 $0x0  }
0x16: {  	s3 =	sld [smem:$0x3FDB];
	s0 =	simm.s32 @p2 $0x1  }
0x17: {  	s4 =	simm.s32 $0x1BF5;
	[smem:$0x3FBA] =	sst s0  }
0x18: {  	s0 =	sld [smem:$0x3F9D];
	_ =	swait.ge [sflag:s4], $0x0  }
0x19: {  	s7 =	sld [smem:$0x3F9E]  }
0x1a: {  	s8 =	sadd.s32 $0xFFFFE003, lr  }
0x1b: {  	s9 =	sadd.s32 $0xFFFFFEF7, lr;
	s5 =	simm.s32 $0xFFFFFFFF;
	p2 =	slt.u32 s8, $0xFFFFF086  }
0x1c: {  	p1 =	slt.u32 s9, $0xF7A;
	s5 =	simm.s32 @!p2 $0x0  }
0x1d: {  	s5 =	simm.s32 @p1 $0x1;
	p0 =	seq.s32 s7, s2  }
0x1e: {  	s7 =	smul.u32 @!p0 $0xF7A, s2;
	p2 =	seq.s32 @!p0 s5, $0x0  }
0x1f: {  	s9 =	smul.u32 $0xF7A, s1;
	s8 =	simm.s32 @!p0 $0x1BF5;
	p2 =	por !p2, p0  }
0x20: {  	[sflag:s8] =	ssyncset.s32 @!p0 $0xFFFFF086;
	s6 =	sadd.s32 @!p0 s3, s7;
	s7 =	simm.s32 @!p0 $0x108  }
0x21: {  	s3 =	sadd.s32 s3, s9;
	s6 =	sadd.s32 @!p0 $0x88, s6;
	s7 =	simm.s32 @p2 $0x1082  }
0x22: {  	[simem:s7], [sflag:s8] =	dma.local @!p0 [hbm:s6], $0xF7A  }
0x23: {  	s9 =	sor.u32 $0xD0000000, s2;
	s6 =	simm.s32 $0x108;
	_ =	swait.ge @!p0 [sflag:s8], $0x0  }
0x24: {  	s3 =	sadd.s32 $0x88, s3;
	s6 =	simm.s32 @!p1 $0x1082;
	[sflag:s4] =	ssyncset.s32 $0xFFFFF086  }
0x25: {  	[simem:s6], [sflag:s4] =	dma.local [hbm:s3], $0xF7A  }
0x26: {  	[smem:$0x3F9E] =	sst s1;
	(tag) =	ssettag s2;
	_ =	strace s9  }
0x27: {  	s1 =	sld [smem:$0x3FAE]  }
0x28: {  	s2 =	sld [smem:$0x3FAF]  }
0x29: {  	s4 =	sld [smem:$0x3FB1]  }
0x2a: {  	p0 =	seq.s32 s5, $0x0;
	s5 =	sld [smem:$0x3FB2]  }
0x2b: {  	s6 =	sld [smem:$0x3FB3]  }
0x2c: {  	s7 =	sld [smem:$0x3FB4]  }
0x2d: {  	s3 =	simm.s32 $0x108;
	s8 =	sld [smem:$0x3FB5]  }
0x2e: {  	s3 =	simm.s32 @!p0 $0x1082;
	s9 =	sld [smem:$0x3FB6]  }
0x2f: {  	lr =	sadd.s32 s0, s3;
	s0 =	sld [smem:$0x3FAD]  }
0x30: {  	s3 =	sld [smem:$0x3FB0]  }
0x31: {  	[smem:$0x3FB9] =	sst s10  }
0x32: {  	s10 =	sld [smem:$0x3FB7];
	_ =	sdelay $0x3  }
0x33: {  	p0 =	seq.s32 s10, $0x1;
	s10 =	sld [smem:$0x3FB9];
	_ =	sdelay $0x3  }
0x34: {  	[smem:$0x3FB9] =	sst s10  }
0x35: {  	s10 =	sld [smem:$0x3FB8];
	_ =	sdelay $0x3  }
0x36: {  	p1 =	seq.s32 s10, $0x1;
	s10 =	sld [smem:$0x3FB9];
	_ =	sdelay $0x3  }
0x37: {  	[smem:$0x3FB9] =	sst s10  }
0x38: {  	s10 =	sld [smem:$0x3FBA]  }
0x39: {  	_ = 	snop;
	(pc) =	sbr.ind lr, $3  }
0x3a: {  	_ = 	snop  }
0x3b: {  	_ = 	snop  }
0x3c: {  	p2 =	seq.s32 s10, $0x1;
	s10 =	sld [smem:$0x3FB9]  }
0x3d: {  	_ =	shalt  }
0x3e: {  	_ =	shalt  }
0x3f: {  	_ =	shalt  }
0x40: {  	_ =	shalt  }
0x41: {  	_ =	shalt  }
0x42: {  	_ =	shalt  }
0x43: {  	_ =	shalt  }
0x44: {  	_ =	shalt  }
0x45: {  	_ =	shalt  }
0x46: {  	_ =	shalt  }
0x47: {  	_ =	shalt  }
0x48: {  	_ =	shalt  }
0x49: {  	_ =	shalt  }
0x4a: {  	_ =	shalt  }
0x4b: {  	_ =	shalt  }
0x4c: {  	_ =	shalt  }
0x4d: {  	_ =	shalt  }
0x4e: {  	_ =	shalt  }
0x4f: {  	_ =	shalt  }
0x50: {  	_ =	shalt  }
0x51: {  	_ =	shalt  }
0x52: {  	_ =	shalt  }
0x53: {  	_ =	shalt  }
0x54: {  	_ =	shalt  }
0x55: {  	_ =	shalt  }
0x56: {  	_ =	shalt  }
0x57: {  	_ =	shalt  }
0x58: {  	_ =	shalt  }
0x59: {  	_ =	shalt  }
0x5a: {  	_ =	shalt  }
0x5b: {  	_ =	shalt  }
0x5c: {  	_ =	shalt  }
0x5d: {  	_ =	shalt  }
0x5e: {  	_ =	shalt  }
0x5f: {  	_ =	shalt  }
0x60: {  	_ =	shalt  }
0x61: {  	_ =	shalt  }
0x62: {  	_ =	shalt  }
0x63: {  	_ =	shalt  }
0x64: {  	_ =	shalt  }
0x65: {  	_ =	shalt  }
0x66: {  	_ =	shalt  }
0x67: {  	_ =	shalt  }
0x68: {  	_ =	shalt  }
0x69: {  	_ =	shalt  }
0x6a: {  	_ =	shalt  }
0x6b: {  	_ =	shalt  }
0x6c: {  	_ =	shalt  }
0x6d: {  	_ =	shalt  }
0x6e: {  	_ =	shalt  }
0x6f: {  	_ =	shalt  }
0x70: {  	_ =	shalt  }
0x71: {  	_ =	shalt  }
0x72: {  	_ =	shalt  }
0x73: {  	_ =	shalt  }
0x74: {  	_ =	shalt  }
0x75: {  	_ =	shalt  }
0x76: {  	_ =	shalt  }
0x77: {  	_ =	shalt  }
0x78: {  	_ =	shalt  }
0x79: {  	_ =	shalt  }
0x7a: {  	_ =	shalt  }
0x7b: {  	_ =	shalt  }
0x7c: {  	_ =	shalt  }
0x7d: {  	_ =	shalt  }
0x7e: {  	_ =	shalt  }
0x7f: {  	_ =	shalt  }
0x80: {  	_ =	shalt  }
0x81: {  	_ =	shalt  }
0x82: {  	_ =	shalt  }
0x83: {  	_ =	shalt  }
0x84: {  	_ =	shalt  }
0x85: {  	_ =	shalt  }
0x86: {  	_ =	shalt  }
0x87: {  	_ =	shalt  }
.Lfunc_end0:
.L_simem_size_0:
called_computation_lowered:
.L_overlay_start_0:
0x88: {  	s2 =	sld [smem:$0x3FD9]  }
0x89: {  	s3 =	sld [smem:$0x3FFE];
	_ =	sdelay $0x1  }
0x8a: {  	s1 =	srdreg.scid  }
0x8b: {  	s0 =	sand.u32 $0x1, s1  }
0x8c: {  	s17 =	sshll.u32 s0, $0xA;
	s2 =	sadd.s32 s3, s2  }
0x8d: {  	s2 =	sadd.s32 s2, s17  }
0x8e: {  	[smem:$0x3FC5] =	sst s2  }
0x8f: {  	_ = 	snop  }
0x90: {  	s2 =	sld [smem:$0x3FC8]  }
0x91: {  	s18 =	sld [smem:$0x3FD0];
	(tm) =	ssettm $0x1  }
0x92: {  	s4 =	sld [smem:$0x3FFB];
	_ =	sdelay $0x3  }
0x93: {  	_ =	strace s4  }
0x94: {  	s4 =	sld [smem:$0x3FFC];
	_ =	sdelay $0x3  }
0x95: {  	_ =	strace s4  }
0x96: {  	s4 =	sld [smem:$0x3FFD];
	_ =	sdelay $0x3  }
0x97: {  	_ =	strace s4  }
0x98: {  	_ =	strace $0x8FFFFFFF  }
0x99: {  	s19 =	sld [smem:$0x3FDB];
	_ =	sdelay $0x1  }
0x9a: {  	s5 =	simm.s32 $_scs_section_size  }
0x9b: {  	s6 =	simm.s32 $_size__tile_overlayer_lowered;
	s7 =	simm.s32 $_tile_overlayer_lowered  }
0x9c: {  	s22 =	simm.s32 $0x1BFF;
	s21 =	sshll.u32 s7, $0x1;
	s4 =	sadd.s32 s5, s19  }
0x9d: {  	s8 =	simm.s32 $0x0;
	s20 =	sshll.u32 s6, $0x1;
	s6 =	sadd.s32 s21, s4  }
0x9e: {  	[timem:s8], [sflag:s22] =	dma.local [hbm:s6], s20  }
0x9f: {  	_ =	swait.ge [sflag:s22], s20  }
0xa0: {  	s5 =	ssub.s32 $0x0, s20;
	[sflag:s22] =	ssyncset.done $0x0  }
0xa1: {  	[sflag:s22] =	ssyncadd.s32 s5;
	_ =	sdelay $0x1  }
0xa2: {  	s23 =	simm.s32 $0x1B8B  }
0xa3: {  	_ =	swait.ge [sflag:s23], $0x1  }
0xa4: {  	[sflag:s23] =	ssyncset.done $0x0  }
0xa5: {  	s25 =	simm.s32 $0x1B8E;
	s24 =	sld [smem:$0x3FFE];
	[sflag:s23] =	ssyncadd.s32 $0xFFFFFFFF  }
0xa6: {  	s26 =	simm.s32 $execute0_lowered;
	[smem:$0x3FD2] =	sst s25  }
0xa7: {  	s6 =	sshll.u32 s26, $0x1;
	_ =	strace $0x80000046;
	[dreg:$0x1] =	wrdreg $0xFFFFFFFF  }
0xa8: {  	s28 =	simm.s32 $_size_execute0_lowered;
	s4 =	sadd.s32 s4, s6;
	[dreg:$0x0] =	wrdreg $0x0  }
0xa9: {  	s6 =	sshll.u32 s28, $0x1;
	[dreg:$0x2] =	wrdreg s4  }
0xaa: {  	[dreg:$0x3] =	wrdreg s6  }
0xab: {  	[dreg:$0x4] =	wrdreg $0xC0  }
0xac: {  	_ =	task [dreg:s8], $0x5FFFF  }
0xad: {  	[dreg:$0x1] =	wrdreg $0xFFFFFFFF  }
0xae: {  	[dreg:$0x0] =	wrdreg $0x60  }
0xaf: {  	[dreg:$0x2] =	wrdreg s18  }
0xb0: {  	[dreg:$0x3] =	wrdreg s2  }
0xb1: {  	[dreg:$0x4] =	wrdreg s24  }
0xb2: {  	[dreg:$0x5] =	wrdreg $0x9  }
0xb3: {  	_ =	task.clear_ibuf [dreg:s8], $0x6FFFF;
	_ =	strace $0x90000046  }
0xb4: {  	s29 =	simm.s32 $0x9;
	_ =	strace $0x80000048  }
0xb5: {  	_ =	swait.ge [sflag:s29], $0x1  }
0xb6: {  	[sflag:s29] =	ssyncadd.s32 $0xFFFFFFFF  }
0xb7: {  	_ =	strace $0x90000048  }
0xb8: {  	_ =	sfence  }
0xb9: {  	s30 =	sld [smem:$0x0];
	_ =	sdelay $0x2  }
0xba: {  	s31 =	sshll.u32 s1, $0xD;
	s1 =	sshrl.u32 s1, $0x2  }
0xbb: {  	s3 =	sand.u32 $0x4000, s31;
	s1 =	sadd.s32 s1, s30  }
0xbc: {  	s0 =	sor.u32 s3, s0;
	s1 =	sshll.u32 s1, $0x11  }
0xbd: {  	s0 =	sor.u32 s1, s0  }
0xbe: {  	s0 =	sadd.s32 $0x8F2B, s0  }
0xbf: {  	[sflag:s0] =	ssyncadd.remote.s32 $0x1  }
0xc0: {  	_ =	sfence.sel $0xFFFF  }
0xc1: {  	[dreg:$0x0] =	wrdreg $0xFFFFFFFF;
	(pc) =	sbr.abs _section_cstart, $3  }
0xc2: {  	[dreg:$0x1] =	wrdreg $0xFFFFFFFF  }
0xc3: {  	_ =	task.clear_ibuf [dreg:s8], $0x2FFFF;
	_ =	strace $0x9FFFFFFF  }
0xc4: {  	(tm) =	ssettm $0x7FFFFFFF  }
0xc5: {  	_ =	shalt  }
tec
execute0_lowered:
.L_overlay_start_1:
0x0: {  	(tag) =	ssettag $0x1  }
0x1: {  	s1 =	rddreg [dreg:$0x1]  }
0x2: {  	s0 =	srdreg.scid;
	s2 =	rddreg [dreg:$0x2]  }
0x3: {  	s5 =	stileid.u32;
	s3 =	simm.s32 $0x0;
	s31 =	simm.s32 $0x6  }
0x4: {  	s29 =	simm.s32 $0x3;
	s30 =	simm.s32 $0x4;
	s28 =	simm.s32 $0x5  }
0x5: {  	s0 =	sand.u32 $0x1, s0;
	[smem:$0x7FF] =	sst s3;
	s6 =	sadd.s32 $0x9E00, s2  }
0x6: {  	s25 =	sadd.s32 $0x13A00, s2;
	s26 =	sadd.s32 $0x9C00, s2;
	s4 =	sshll.u32 s0, $0x4  }
0x7: {  	_ =	strace $0x80000047;
	s0 =	ssub.s32 $0x2, s0;
	[dreg:$0xd] =	wrdreg s25  }
0x8: {  	[dreg:$0xe] =	wrdreg s26;
	s4 =	sor.u32 s5, s4;
	s7 =	sshrl.u32 s0, $0x1  }
0x9: {  	s5 =	smul.u32 $0xA000, s4;
	s0 =	ssub.s32 s0, s7;
	s12 =	sshll.u32 s4, $0x9  }
0xa: {  	s8 =	sshll.u32 s4, $0x4;
	s13 =	sshll.u32 s4, $0x8;
	p0 =	sgt.u32 s4, $0x1B  }
0xb: {  	p1 =	sne.s32 s4, $0x1C;
	s4 =	simm.s32 $0x7;
	s7 =	sadd.s32 s1, s12  }
0xc: {  	s9 =	sadd.s32 s6, s13;
	s14 =	sor.u32 $0x200, s8;
	s10 =	sor.u32 $0x400, s8  }
0xd: {  	s21 =	sor.u32 $0x600, s8;
	s8 =	sor.u32 $0x800, s8;
	s26 =	smax.u32 s0, $0x1  }
0xe: {  	s0 =	simm.s32 $0x2;
	s5 =	sshrl.u32 s5, $0x3;
	[dreg:$0x4] =	wrdreg s7  }
0xf: {  	[dreg:$0x5] =	wrdreg s9;
	s7 =	sadd.s32 s2, s13;
	s15 =	sshll.u32 s14, $0x5  }
0x10: {  	s17 =	sshll.u32 s10, $0x5;
	s19 =	sshll.u32 s10, $0x4;
	s22 =	sshll.u32 s21, $0x5  }
0x11: {  	s23 =	sshll.u32 s8, $0x5;
	s24 =	sshll.u32 s8, $0x4;
	s5 =	sadd.s32 s5, s2  }
0x12: {  	[dreg:$0x6] =	wrdreg s7;
	s7 =	sshll.u32 s14, $0x4;
	s9 =	sadd.s32 s1, s15  }
0x13: {  	s18 =	sadd.s32 s1, s17;
	s20 =	sadd.s32 s6, s19;
	s12 =	sadd.s32 s2, s19  }
0x14: {  	s13 =	sadd.s32 s1, s22;
	s17 =	sadd.s32 s6, s24;
	[dreg:$0x7] =	wrdreg s9  }
0x15: {  	s19 =	simm.s32 $0xF000;
	s16 =	sadd.s32 s6, s7;
	[dreg:$0xa] =	wrdreg s18  }
0x16: {  	s7 =	sadd.s32 s2, s7;
	[dreg:$0xb] =	wrdreg s20;
	s18 =	sadd.s32 s2, s24  }
0x17: {  	s22 =	sadd.s32 $0x13C00, s5;
	s24 =	sadd.s32 $0x14600, s5;
	s25 =	sadd.s32 $0x14B00, s5  }
.Ltmp0:
0x18: {  	s20 =	simm.s32 $0x11800;
	[dreg:$0x8] =	wrdreg s16;
	(pc) =	sbr.rel .LBB2_1-.Ltmp0, $4  }
0x19: {  	[dreg:$0x9] =	wrdreg s7;
	s7 =	sshll.u32 s21, $0x4;
	s16 =	sadd.s32 s1, s23  }
0x1a: {  	s1 =	sadd.s32 $0x13800, s1;
	s23 =	sadd.s32 $0x14100, s5;
	s21 =	simm.s32 $0x14000  }
0x1b: {  	s5 =	simm.s32 $0x0;
	s14 =	sadd.s32 s6, s7;
	s15 =	sadd.s32 s2, s7  }
0x1c: {  	v0 =	vimm.f32 $0.0e+00;
	[dreg:$0xc] =	wrdreg s1;
	s1 =	simm.s32 $0x1;
	s2 =	simm.s32 $0xC800  }
.LBB2_18:
0x1d: {  	_ =	sdelay $0x3  }
0x1e: {  	[tilespmem:v1+s20+$0x0] =	vst.idx.add.f32.msk $0xffff, v3  }
0x1f: {  	[tilespmem:v1+s21+$0x0] =	vst.idx.add.f32.msk $0xffff, v2  }
.LBB2_19:
0x20: {  	[hbm4b:s22+s3] =	stream.linear.scatter [tilespmem:s2], [sflag:$0x6], $0x2800, $0x38;
	[tilespmem:$0x16800] =	vst v63  }
0x21: {  	_ = 	snop  }
0x22: {  	[hbm4b:s23+s3] =	stream.linear.scatter [tilespmem:s19], [sflag:$0x6], $0x2800, $0x38;
	[tilespmem:$0x16800] =	vst v63  }
0x23: {  	_ = 	snop  }
0x24: {  	[hbm4b:s24+s3] =	stream.linear.scatter [tilespmem:s20], [sflag:$0x6], $0x2800, $0x38;
	[tilespmem:$0x16800] =	vst v63  }
0x25: {  	_ = 	snop  }
0x26: {  	[hbm4b:s25+s3] =	stream.linear.scatter [tilespmem:s21], [sflag:$0x6], $0x2800, $0x38;
	[tilespmem:$0x16800] =	vst v63  }
0x27: {  	_ =	swait.ge [sflag:s31], $0x2800  }
0x28: {  	[sflag:s31] =	ssyncset.done $0x0  }
0x29: {  	[sflag:s31] =	ssyncadd.s32 $0xFFFFD800  }
0x2a: {  	_ =	swait.ge [sflag:s31], $0x2800  }
0x2b: {  	[sflag:s31] =	ssyncset.done $0x0  }
0x2c: {  	s5 =	sadd.s32 $0x1, s5;
	[sflag:s31] =	ssyncadd.s32 $0xFFFFD800  }
0x2d: {  	p2 =	sne.s32 s5, s26;
	_ =	swait.ge [sflag:s31], $0x2800  }
.Ltmp1:
0x2e: {  	[sflag:s31] =	ssyncset.done $0x0;
	(pc) =	sbr.rel @!p2 .LBB2_20-.Ltmp1, $4  }
0x2f: {  	[sflag:s31] =	ssyncadd.s32 $0xFFFFD800  }
0x30: {  	_ =	swait.ge [sflag:s31], $0x2800  }
0x31: {  	[sflag:s31] =	ssyncset.done $0x0  }
0x32: {  	[sflag:s31] =	ssyncadd.s32 $0xFFFFD800  }
.LBB2_1:
0x33: {  	s6 =	rddreg [dreg:$0x4];
	s7 =	simm.s32 $0x2800  }
0x34: {  	[tilespmem:s7], [sflag:$0x1] =	stream.linear.gather [hbm4b:s6+s3], $0x1000, $0x38;
	[tilespmem:$0x16800] =	vst v63  }
0x35: {  	s10 =	rddreg [dreg:$0x5];
	s11 =	simm.s32 $0x7800  }
0x36: {  	[tilespmem:s11], [sflag:$0x1] =	stream.linear.gather [hbm4b:s10+s3], $0x800, $0x38;
	[tilespmem:$0x16800] =	vst v63  }
0x37: {  	s8 =	rddreg [dreg:$0x6];
	s9 =	simm.s32 $0xA000  }
0x38: {  	[tilespmem:s9], [sflag:$0x1] =	stream.linear.gather [hbm4b:s8+s3], $0x800, $0x38;
	[tilespmem:$0x16800] =	vst v63  }
0x39: {  	s10 =	rddreg [dreg:$0x7];
	s11 =	simm.s32 $0x3800  }
0x3a: {  	[tilespmem:s11], [sflag:$0x2] =	stream.linear.gather [hbm4b:s10+s3], $0x1000, $0x38;
	[tilespmem:$0x16800] =	vst v63  }
0x3b: {  	s8 =	rddreg [dreg:$0x8];
	s9 =	simm.s32 $0x8000  }
0x3c: {  	[tilespmem:s9], [sflag:$0x2] =	stream.linear.gather [hbm4b:s8+s3], $0x800, $0x38;
	[tilespmem:$0x16800] =	vst v63  }
0x3d: {  	s10 =	rddreg [dreg:$0x9];
	s11 =	simm.s32 $0xA800  }
0x3e: {  	[tilespmem:s11], [sflag:$0x2] =	stream.linear.gather [hbm4b:s10+s3], $0x800, $0x38;
	[tilespmem:$0x16800] =	vst v63  }
0x3f: {  	s8 =	rddreg [dreg:$0xa];
	s9 =	simm.s32 $0x4800  }
0x40: {  	[tilespmem:s9], [sflag:$0x3] =	stream.linear.gather [hbm4b:s8+s3], $0x1000, $0x38;
	[tilespmem:$0x16800] =	vst v63  }
0x41: {  	s10 =	rddreg [dreg:$0xb];
	s11 =	simm.s32 $0x8800  }
0x42: {  	[tilespmem:s11], [sflag:$0x3] =	stream.linear.gather [hbm4b:s10+s3], $0x800, $0x38;
	[tilespmem:$0x16800] =	vst v63  }
0x43: {  	s7 =	simm.s32 $0xB000  }
0x44: {  	[tilespmem:s7], [sflag:$0x3] =	stream.linear.gather [hbm4b:s12+s3], $0x800, $0x38;
	[tilespmem:$0x16800] =	vst v63  }
0x45: {  	s8 =	simm.s32 $0x5800  }
0x46: {  	[tilespmem:s8], [sflag:$0x4] =	stream.linear.gather [hbm4b:s13+s3], $0x1000, $0x38;
	[tilespmem:$0x16800] =	vst v63  }
0x47: {  	s9 =	simm.s32 $0x9000  }
0x48: {  	[tilespmem:s9], [sflag:$0x4] =	stream.linear.gather [hbm4b:s14+s3], $0x800, $0x38;
	[tilespmem:$0x16800] =	vst v63  }
0x49: {  	s10 =	simm.s32 $0xB800  }
0x4a: {  	[tilespmem:s10], [sflag:$0x4] =	stream.linear.gather [hbm4b:s15+s3], $0x800, $0x38;
	[tilespmem:$0x16800] =	vst v63  }
0x4b: {  	s6 =	simm.s32 @!p0 $0x0;
	s7 =	simm.s32 @!p0 $0x6800  }
0x4c: {  	[tilespmem:s7], [sflag:$0x5] =	stream.linear.gather @!p0 [hbm4b:s16+s6], $0x1000, $0x38;
	[tilespmem:$0x16800] =	vst v63  }
0x4d: {  	s7 =	simm.s32 @!p0 $0x9800  }
0x4e: {  	[tilespmem:s7], [sflag:$0x5] =	stream.linear.gather @!p0 [hbm4b:s17+s6], $0x800, $0x38;
	[tilespmem:$0x16800] =	vst v63  }
0x4f: {  	s7 =	simm.s32 @!p0 $0xC000  }
0x50: {  	[tilespmem:s7], [sflag:$0x5] =	stream.linear.gather @!p0 [hbm4b:s18+s6], $0x800, $0x38;
	[tilespmem:$0x16800] =	vst v63  }
0x51: {  	s11 =	rddreg [dreg:$0x0];
	s6 =	simm.s32 $0xC840  }
0x52: {  	[tilespmem:s3], [sflag:$0x6] =	stream.linear.gather [hbm4b:s11+s3], $0x2710, $0x38;
	[tilespmem:$0x16800] =	vst v63  }
0x53: {  	s7 =	simm.s32 $0xF040;
	[tilespmem:s6+$0xFFFFFFC0] =	vst v0  }
0x54: {  	s10 =	simm.s32 $0x11840;
	[tilespmem:s7+$0xFFFFFFC0] =	vst v0  }
0x55: {  	s8 =	simm.s32 $0x14040;
	[tilespmem:s10+$0xFFFFFFC0] =	vst v0  }
0x56: {  	[tilespmem:s8+$0xFFFFFFC0] =	vst v0  }
0x57: {  	[tilespmem:s6+$0xFFFFFFD0] =	vst v0  }
0x58: {  	[tilespmem:s7+$0xFFFFFFD0] =	vst v0  }
0x59: {  	[tilespmem:s10+$0xFFFFFFD0] =	vst v0  }
0x5a: {  	[tilespmem:s8+$0xFFFFFFD0] =	vst v0  }
0x5b: {  	[tilespmem:s6+$0xFFFFFFE0] =	vst v0  }
0x5c: {  	[tilespmem:s7+$0xFFFFFFE0] =	vst v0  }
0x5d: {  	[tilespmem:s10+$0xFFFFFFE0] =	vst v0  }
0x5e: {  	[tilespmem:s8+$0xFFFFFFE0] =	vst v0  }
0x5f: {  	[tilespmem:s6+$0xFFFFFFF0] =	vst v0  }
0x60: {  	[tilespmem:s7+$0xFFFFFFF0] =	vst v0  }
0x61: {  	[tilespmem:s10+$0xFFFFFFF0] =	vst v0  }
0x62: {  	[tilespmem:s8+$0xFFFFFFF0] =	vst v0  }
0x63: {  	[tilespmem:s6+$0x0] =	vst v0  }
0x64: {  	[tilespmem:s7+$0x0] =	vst v0  }
0x65: {  	[tilespmem:s10+$0x0] =	vst v0  }
0x66: {  	[tilespmem:s8+$0x0] =	vst v0  }
0x67: {  	[tilespmem:s6+$0x10] =	vst v0  }
0x68: {  	[tilespmem:s7+$0x10] =	vst v0  }
0x69: {  	[tilespmem:s10+$0x10] =	vst v0  }
0x6a: {  	[tilespmem:s8+$0x10] =	vst v0  }
0x6b: {  	[tilespmem:s6+$0x20] =	vst v0  }
0x6c: {  	[tilespmem:s7+$0x20] =	vst v0  }
0x6d: {  	[tilespmem:s10+$0x20] =	vst v0  }
0x6e: {  	[tilespmem:s8+$0x20] =	vst v0  }
0x6f: {  	[tilespmem:s6+$0x30] =	vst v0  }
0x70: {  	[tilespmem:s7+$0x30] =	vst v0  }
0x71: {  	s9 =	simm.s32 $0x0;
	s11 =	simm.s32 $0x140C0;
	[tilespmem:s10+$0x30] =	vst v0;
	s10 =	simm.s32 $0x118C0  }
.LBB2_2:
0x72: {  	s9 =	sadd.s32 $0x8, s9;
	[tilespmem:s8+$0x30] =	vst v0;
	s6 =	sadd.s32 $0x80, s6;
	s7 =	sadd.s32 $0x80, s7  }
0x73: {  	s8 =	smov.u32 s11;
	[tilespmem:s6+$0xFFFFFFC0] =	vst v0;
	p2 =	slt.u32 s9, $0x278  }
0x74: {  	[tilespmem:s7+$0xFFFFFFC0] =	vst v0  }
0x75: {  	[tilespmem:s10+$0xFFFFFFC0] =	vst v0  }
0x76: {  	[tilespmem:s11+$0xFFFFFFC0] =	vst v0  }
0x77: {  	[tilespmem:s6+$0xFFFFFFD0] =	vst v0  }
0x78: {  	[tilespmem:s7+$0xFFFFFFD0] =	vst v0  }
0x79: {  	[tilespmem:s10+$0xFFFFFFD0] =	vst v0  }
0x7a: {  	[tilespmem:s11+$0xFFFFFFD0] =	vst v0  }
0x7b: {  	[tilespmem:s6+$0xFFFFFFE0] =	vst v0  }
0x7c: {  	[tilespmem:s7+$0xFFFFFFE0] =	vst v0  }
0x7d: {  	[tilespmem:s10+$0xFFFFFFE0] =	vst v0  }
0x7e: {  	[tilespmem:s11+$0xFFFFFFE0] =	vst v0  }
0x7f: {  	[tilespmem:s6+$0xFFFFFFF0] =	vst v0  }
0x80: {  	[tilespmem:s7+$0xFFFFFFF0] =	vst v0  }
0x81: {  	[tilespmem:s10+$0xFFFFFFF0] =	vst v0  }
0x82: {  	[tilespmem:s11+$0xFFFFFFF0] =	vst v0  }
0x83: {  	[tilespmem:s6+$0x0] =	vst v0  }
0x84: {  	[tilespmem:s7+$0x0] =	vst v0  }
0x85: {  	[tilespmem:s10+$0x0] =	vst v0  }
0x86: {  	[tilespmem:s11+$0x0] =	vst v0  }
0x87: {  	[tilespmem:s6+$0x10] =	vst v0  }
0x88: {  	[tilespmem:s7+$0x10] =	vst v0  }
0x89: {  	[tilespmem:s10+$0x10] =	vst v0  }
0x8a: {  	[tilespmem:s11+$0x10] =	vst v0  }
0x8b: {  	[tilespmem:s6+$0x20] =	vst v0  }
0x8c: {  	[tilespmem:s7+$0x20] =	vst v0  }
.Ltmp2:
0x8d: {  	[tilespmem:s10+$0x20] =	vst v0;
	(pc) =	sbr.rel @p2 .LBB2_2-.Ltmp2, $4  }
0x8e: {  	[tilespmem:s11+$0x20] =	vst v0  }
0x8f: {  	[tilespmem:s6+$0x30] =	vst v0  }
0x90: {  	[tilespmem:s7+$0x30] =	vst v0  }
0x91: {  	s11 =	sadd.s32 $0x80, s11;
	[tilespmem:s10+$0x30] =	vst v0;
	s10 =	sadd.s32 $0x80, s10  }
0x92: {  	[tilespmem:s8+$0x30] =	vst v0  }
0x93: {  	_ =	swait.ge [sflag:s31], $0x2710  }
0x94: {  	[sflag:s31] =	ssyncset.done $0x0  }
0x95: {  	[sflag:s31] =	ssyncadd.s32 $0xFFFFD8F0  }
0x96: {  	_ =	swait.ge [sflag:s1], $0x1000  }
0x97: {  	[sflag:s1] =	ssyncset.done $0x0  }
0x98: {  	[sflag:s1] =	ssyncadd.s32 $0xFFFFF000  }
0x99: {  	_ =	swait.ge [sflag:s1], $0x800  }
0x9a: {  	[sflag:s1] =	ssyncset.done $0x0  }
0x9b: {  	[sflag:s1] =	ssyncadd.s32 $0xFFFFF800  }
0x9c: {  	_ =	swait.ge [sflag:s1], $0x800  }
0x9d: {  	[sflag:s1] =	ssyncset.done $0x0  }
0x9e: {  	s6 =	simm.s32 $0x0;
	s7 =	simm.s32 $0x7800;
	[sflag:s1] =	ssyncadd.s32 $0xFFFFF800  }
0x9f: {  	s8 =	simm.s32 $0xA000;
	s9 =	sand.u32 $0x70, s6;
	s10 =	sand.u32 $0xF00, s6;
	v2 =	vld [tilespmem:s7+$0x0]  }
0xa0: {  	s9 =	sor.u32 s9, s10;
	v3 =	vld [tilespmem:s8+$0x0]  }
0xa1: {  	v4 =	vld [tilespmem:s9+$0x2880]  }
0xa2: {  	v1 =	vld [tilespmem:s9+$0x2800];
	_ =	sdelay $0x1  }
0xa3: {  	vm0 =	vlt.f32 v2, $0.0e+00;
	vm1 =	vgt.f32 v2, $0.0e+00  }
0xa4: {  	vm0 =	vmor vm1, vm0  }
0xa5: {  	vm15 =	vlt.f32 v3, $0.0e+00;
	vm2 =	vgt.f32 v3, $0.0e+00;
	v2 =	vnsel vm0, $0x3F800000, v2  }
0xa6: {  	vm1 =	vmor vm2, vm15;
	(erf) = vrcp.f32 v2  }
0xa7: {  	v2 =	vnsel vm1, $0x3F800000, v3  }
0xa8: {  	v3 =	vld.idx.msk [tilespmem:v4+s3+$0x0], $0xffff;
	(erf) = vrcp.f32 v2  }
0xa9: {  	v2 =	vld.idx.msk [tilespmem:v1+s3+$0x0], $0xffff;
	_ =	sdelay $0x4  }
0xaa: {  	v2 =	vsub.f32 v3, v2  }
0xab: {  	v3 =	vpop (erf)  }
0xac: {  	v3 =	vmul.f32 v3, v2  }
0xad: {  	v4 =	vpop (erf)  }
0xae: {  	v4 =	vmul.f32 v4, v2;
	v2 =	vnsel vm0, $0x0, v3  }
0xaf: {  	v5 =	vsel vm0, $0x3F800000, v0;
	[tilespmem:v1+s2+$0x0] =	vst.idx.add.f32.msk $0xffff, v2  }
0xb0: {  	s9 =	simm.s32 $0x10;
	v2 =	vsel vm1, $0x3F800000, v0;
	v3 =	vnsel vm1, $0x0, v4;
	[tilespmem:v1+s19+$0x0] =	vst.idx.add.f32.msk $0xffff, v5  }
.LBB2_4:
0xb1: {  	[tilespmem:v1+s20+$0x0] =	vst.idx.add.f32.msk $0xffff, v3;
	s6 =	sadd.s32 $0x20, s6;
	s7 =	sadd.s32 $0x10, s7;
	s8 =	sadd.s32 $0x10, s8  }
0xb2: {  	p2 =	sne.s32 s9, $0x7F0;
	s10 =	smov.u32 s9;
	s9 =	sadd.s32 $0x10, s9;
	[tilespmem:v1+s21+$0x0] =	vst.idx.add.f32.msk $0xffff, v2  }
0xb3: {  	s10 =	sand.u32 $0x70, s10;
	s11 =	sand.u32 $0xF00, s6;
	v2 =	vld [tilespmem:s7+$0x0]  }
0xb4: {  	s10 =	sor.u32 s10, s11;
	v3 =	vld [tilespmem:s8+$0x0]  }
0xb5: {  	v4 =	vld [tilespmem:s10+$0x2880]  }
0xb6: {  	v1 =	vld [tilespmem:s10+$0x2800];
	_ =	sdelay $0x1  }
0xb7: {  	vm0 =	vlt.f32 v2, $0.0e+00;
	vm1 =	vgt.f32 v2, $0.0e+00  }
0xb8: {  	vm0 =	vmor vm1, vm0;
	vm1 =	vlt.f32 v3, $0.0e+00;
	vm2 =	vgt.f32 v3, $0.0e+00  }
0xb9: {  	vm1 =	vmor vm2, vm1;
	v5 =	vnsel vm0, $0x3F800000, v2  }
0xba: {  	v3 =	vnsel vm1, $0x3F800000, v3;
	v2 =	vsel vm1, $0x3F800000, v0  }
0xbb: {  	(erf) = vrcp.f32 v5  }
0xbc: {  	v4 =	vld.idx.msk [tilespmem:v4+s3+$0x0], $0xffff;
	(erf) = vrcp.f32 v3  }
0xbd: {  	v3 =	vld.idx.msk [tilespmem:v1+s3+$0x0], $0xffff;
	_ =	sdelay $0x5  }
0xbe: {  	v3 =	vsub.f32 v4, v3  }
0xbf: {  	v4 =	vpop (erf)  }
.Ltmp3:
0xc0: {  	v4 =	vmul.f32 v4, v3;
	v5 =	vpop (erf);
	(pc) =	sbr.rel @p2 .LBB2_4-.Ltmp3, $4  }
0xc1: {  	v3 =	vmul.f32 v5, v3  }
0xc2: {  	v4 =	vnsel vm0, $0x0, v4  }
0xc3: {  	v5 =	vsel vm0, $0x3F800000, v0;
	v3 =	vnsel vm1, $0x0, v3;
	[tilespmem:v1+s2+$0x0] =	vst.idx.add.f32.msk $0xffff, v4  }
0xc4: {  	[tilespmem:v1+s19+$0x0] =	vst.idx.add.f32.msk $0xffff, v5  }
0xc5: {  	_ =	sdelay $0x3  }
0xc6: {  	[tilespmem:v1+s20+$0x0] =	vst.idx.add.f32.msk $0xffff, v3  }
0xc7: {  	[tilespmem:v1+s21+$0x0] =	vst.idx.add.f32.msk $0xffff, v2  }
0xc8: {  	_ =	swait.ge [sflag:s0], $0x1000  }
0xc9: {  	[sflag:s0] =	ssyncset.done $0x0  }
0xca: {  	[sflag:s0] =	ssyncadd.s32 $0xFFFFF000  }
0xcb: {  	_ =	swait.ge [sflag:s0], $0x800  }
0xcc: {  	[sflag:s0] =	ssyncset.done $0x0  }
0xcd: {  	[sflag:s0] =	ssyncadd.s32 $0xFFFFF800  }
0xce: {  	_ =	swait.ge [sflag:s0], $0x800  }
0xcf: {  	[sflag:s0] =	ssyncset.done $0x0  }
0xd0: {  	s6 =	simm.s32 $0x0;
	s7 =	simm.s32 $0x8000;
	[sflag:s0] =	ssyncadd.s32 $0xFFFFF800  }
0xd1: {  	s8 =	simm.s32 $0xA800;
	s9 =	sand.u32 $0x70, s6;
	s10 =	sand.u32 $0xF00, s6;
	v2 =	vld [tilespmem:s7+$0x0]  }
0xd2: {  	s9 =	sor.u32 s9, s10;
	v3 =	vld [tilespmem:s8+$0x0]  }
0xd3: {  	v4 =	vld [tilespmem:s9+$0x3880]  }
0xd4: {  	v1 =	vld [tilespmem:s9+$0x3800];
	_ =	sdelay $0x1  }
0xd5: {  	vm0 =	vlt.f32 v2, $0.0e+00;
	vm1 =	vgt.f32 v2, $0.0e+00  }
0xd6: {  	vm0 =	vmor vm1, vm0  }
0xd7: {  	vm15 =	vlt.f32 v3, $0.0e+00;
	vm2 =	vgt.f32 v3, $0.0e+00;
	v2 =	vnsel vm0, $0x3F800000, v2  }
0xd8: {  	vm1 =	vmor vm2, vm15;
	(erf) = vrcp.f32 v2  }
0xd9: {  	v2 =	vnsel vm1, $0x3F800000, v3  }
0xda: {  	v3 =	vld.idx.msk [tilespmem:v4+s3+$0x0], $0xffff;
	(erf) = vrcp.f32 v2  }
0xdb: {  	v2 =	vld.idx.msk [tilespmem:v1+s3+$0x0], $0xffff;
	_ =	sdelay $0x4  }
0xdc: {  	v2 =	vsub.f32 v3, v2  }
0xdd: {  	v3 =	vpop (erf)  }
0xde: {  	v3 =	vmul.f32 v3, v2  }
0xdf: {  	v4 =	vpop (erf)  }
0xe0: {  	v4 =	vmul.f32 v4, v2;
	v2 =	vnsel vm0, $0x0, v3  }
0xe1: {  	v5 =	vsel vm0, $0x3F800000, v0;
	[tilespmem:v1+s2+$0x0] =	vst.idx.add.f32.msk $0xffff, v2  }
0xe2: {  	s9 =	simm.s32 $0x10;
	v2 =	vsel vm1, $0x3F800000, v0;
	v3 =	vnsel vm1, $0x0, v4;
	[tilespmem:v1+s19+$0x0] =	vst.idx.add.f32.msk $0xffff, v5  }
.LBB2_6:
0xe3: {  	[tilespmem:v1+s20+$0x0] =	vst.idx.add.f32.msk $0xffff, v3;
	s6 =	sadd.s32 $0x20, s6;
	s7 =	sadd.s32 $0x10, s7;
	s8 =	sadd.s32 $0x10, s8  }
0xe4: {  	p2 =	sne.s32 s9, $0x7F0;
	s10 =	smov.u32 s9;
	s9 =	sadd.s32 $0x10, s9;
	[tilespmem:v1+s21+$0x0] =	vst.idx.add.f32.msk $0xffff, v2  }
0xe5: {  	s10 =	sand.u32 $0x70, s10;
	s11 =	sand.u32 $0xF00, s6;
	v2 =	vld [tilespmem:s7+$0x0]  }
0xe6: {  	s10 =	sor.u32 s10, s11;
	v3 =	vld [tilespmem:s8+$0x0]  }
0xe7: {  	v4 =	vld [tilespmem:s10+$0x3880]  }
0xe8: {  	v1 =	vld [tilespmem:s10+$0x3800];
	_ =	sdelay $0x1  }
0xe9: {  	vm0 =	vlt.f32 v2, $0.0e+00;
	vm1 =	vgt.f32 v2, $0.0e+00  }
0xea: {  	vm0 =	vmor vm1, vm0;
	vm1 =	vlt.f32 v3, $0.0e+00;
	vm2 =	vgt.f32 v3, $0.0e+00  }
0xeb: {  	vm1 =	vmor vm2, vm1;
	v5 =	vnsel vm0, $0x3F800000, v2  }
0xec: {  	v3 =	vnsel vm1, $0x3F800000, v3;
	v2 =	vsel vm1, $0x3F800000, v0  }
0xed: {  	(erf) = vrcp.f32 v5  }
0xee: {  	v4 =	vld.idx.msk [tilespmem:v4+s3+$0x0], $0xffff;
	(erf) = vrcp.f32 v3  }
0xef: {  	v3 =	vld.idx.msk [tilespmem:v1+s3+$0x0], $0xffff;
	_ =	sdelay $0x5  }
0xf0: {  	v3 =	vsub.f32 v4, v3  }
0xf1: {  	v4 =	vpop (erf)  }
.Ltmp4:
0xf2: {  	v4 =	vmul.f32 v4, v3;
	v5 =	vpop (erf);
	(pc) =	sbr.rel @p2 .LBB2_6-.Ltmp4, $4  }
0xf3: {  	v3 =	vmul.f32 v5, v3  }
0xf4: {  	v4 =	vnsel vm0, $0x0, v4  }
0xf5: {  	v5 =	vsel vm0, $0x3F800000, v0;
	v3 =	vnsel vm1, $0x0, v3;
	[tilespmem:v1+s2+$0x0] =	vst.idx.add.f32.msk $0xffff, v4  }
0xf6: {  	[tilespmem:v1+s19+$0x0] =	vst.idx.add.f32.msk $0xffff, v5  }
0xf7: {  	_ =	sdelay $0x3  }
0xf8: {  	[tilespmem:v1+s20+$0x0] =	vst.idx.add.f32.msk $0xffff, v3  }
0xf9: {  	[tilespmem:v1+s21+$0x0] =	vst.idx.add.f32.msk $0xffff, v2  }
0xfa: {  	_ =	swait.ge [sflag:s29], $0x1000  }
0xfb: {  	[sflag:s29] =	ssyncset.done $0x0  }
0xfc: {  	[sflag:s29] =	ssyncadd.s32 $0xFFFFF000  }
0xfd: {  	_ =	swait.ge [sflag:s29], $0x800  }
0xfe: {  	[sflag:s29] =	ssyncset.done $0x0  }
0xff: {  	[sflag:s29] =	ssyncadd.s32 $0xFFFFF800  }
0x100: {  	_ =	swait.ge [sflag:s29], $0x800  }
0x101: {  	[sflag:s29] =	ssyncset.done $0x0  }
0x102: {  	s6 =	simm.s32 $0x0;
	s7 =	simm.s32 $0x8800;
	[sflag:s29] =	ssyncadd.s32 $0xFFFFF800  }
0x103: {  	s8 =	simm.s32 $0xB000;
	s9 =	sand.u32 $0x70, s6;
	s10 =	sand.u32 $0xF00, s6;
	v2 =	vld [tilespmem:s7+$0x0]  }
0x104: {  	s9 =	sor.u32 s9, s10;
	v3 =	vld [tilespmem:s8+$0x0]  }
0x105: {  	v4 =	vld [tilespmem:s9+$0x4880]  }
0x106: {  	v1 =	vld [tilespmem:s9+$0x4800];
	_ =	sdelay $0x1  }
0x107: {  	vm0 =	vlt.f32 v2, $0.0e+00;
	vm1 =	vgt.f32 v2, $0.0e+00  }
0x108: {  	vm0 =	vmor vm1, vm0  }
0x109: {  	vm15 =	vlt.f32 v3, $0.0e+00;
	vm2 =	vgt.f32 v3, $0.0e+00;
	v2 =	vnsel vm0, $0x3F800000, v2  }
0x10a: {  	vm1 =	vmor vm2, vm15;
	(erf) = vrcp.f32 v2  }
0x10b: {  	v2 =	vnsel vm1, $0x3F800000, v3  }
0x10c: {  	v3 =	vld.idx.msk [tilespmem:v4+s3+$0x0], $0xffff;
	(erf) = vrcp.f32 v2  }
0x10d: {  	v2 =	vld.idx.msk [tilespmem:v1+s3+$0x0], $0xffff;
	_ =	sdelay $0x4  }
0x10e: {  	v2 =	vsub.f32 v3, v2  }
0x10f: {  	v3 =	vpop (erf)  }
0x110: {  	v3 =	vmul.f32 v3, v2  }
0x111: {  	v4 =	vpop (erf)  }
0x112: {  	v4 =	vmul.f32 v4, v2;
	v2 =	vnsel vm0, $0x0, v3  }
0x113: {  	v5 =	vsel vm0, $0x3F800000, v0;
	[tilespmem:v1+s2+$0x0] =	vst.idx.add.f32.msk $0xffff, v2  }
0x114: {  	s9 =	simm.s32 $0x10;
	v2 =	vsel vm1, $0x3F800000, v0;
	v3 =	vnsel vm1, $0x0, v4;
	[tilespmem:v1+s19+$0x0] =	vst.idx.add.f32.msk $0xffff, v5  }
.LBB2_8:
0x115: {  	[tilespmem:v1+s20+$0x0] =	vst.idx.add.f32.msk $0xffff, v3;
	s6 =	sadd.s32 $0x20, s6;
	s7 =	sadd.s32 $0x10, s7;
	s8 =	sadd.s32 $0x10, s8  }
0x116: {  	p2 =	sne.s32 s9, $0x7F0;
	s10 =	smov.u32 s9;
	s9 =	sadd.s32 $0x10, s9;
	[tilespmem:v1+s21+$0x0] =	vst.idx.add.f32.msk $0xffff, v2  }
0x117: {  	s10 =	sand.u32 $0x70, s10;
	s11 =	sand.u32 $0xF00, s6;
	v2 =	vld [tilespmem:s7+$0x0]  }
0x118: {  	s10 =	sor.u32 s10, s11;
	v3 =	vld [tilespmem:s8+$0x0]  }
0x119: {  	v4 =	vld [tilespmem:s10+$0x4880]  }
0x11a: {  	v1 =	vld [tilespmem:s10+$0x4800];
	_ =	sdelay $0x1  }
0x11b: {  	vm0 =	vlt.f32 v2, $0.0e+00;
	vm1 =	vgt.f32 v2, $0.0e+00  }
0x11c: {  	vm0 =	vmor vm1, vm0;
	vm1 =	vlt.f32 v3, $0.0e+00;
	vm2 =	vgt.f32 v3, $0.0e+00  }
0x11d: {  	vm1 =	vmor vm2, vm1;
	v5 =	vnsel vm0, $0x3F800000, v2  }
0x11e: {  	v3 =	vnsel vm1, $0x3F800000, v3;
	v2 =	vsel vm1, $0x3F800000, v0  }
0x11f: {  	(erf) = vrcp.f32 v5  }
0x120: {  	v4 =	vld.idx.msk [tilespmem:v4+s3+$0x0], $0xffff;
	(erf) = vrcp.f32 v3  }
0x121: {  	v3 =	vld.idx.msk [tilespmem:v1+s3+$0x0], $0xffff;
	_ =	sdelay $0x5  }
0x122: {  	v3 =	vsub.f32 v4, v3  }
0x123: {  	v4 =	vpop (erf)  }
.Ltmp5:
0x124: {  	v4 =	vmul.f32 v4, v3;
	v5 =	vpop (erf);
	(pc) =	sbr.rel @p2 .LBB2_8-.Ltmp5, $4  }
0x125: {  	v3 =	vmul.f32 v5, v3  }
0x126: {  	v4 =	vnsel vm0, $0x0, v4  }
0x127: {  	v5 =	vsel vm0, $0x3F800000, v0;
	v3 =	vnsel vm1, $0x0, v3;
	[tilespmem:v1+s2+$0x0] =	vst.idx.add.f32.msk $0xffff, v4  }
0x128: {  	[tilespmem:v1+s19+$0x0] =	vst.idx.add.f32.msk $0xffff, v5  }
0x129: {  	_ =	sdelay $0x3  }
0x12a: {  	[tilespmem:v1+s20+$0x0] =	vst.idx.add.f32.msk $0xffff, v3  }
0x12b: {  	[tilespmem:v1+s21+$0x0] =	vst.idx.add.f32.msk $0xffff, v2  }
0x12c: {  	_ =	swait.ge [sflag:s30], $0x1000  }
0x12d: {  	[sflag:s30] =	ssyncset.done $0x0  }
0x12e: {  	[sflag:s30] =	ssyncadd.s32 $0xFFFFF000  }
0x12f: {  	_ =	swait.ge [sflag:s30], $0x800  }
0x130: {  	[sflag:s30] =	ssyncset.done $0x0  }
0x131: {  	[sflag:s30] =	ssyncadd.s32 $0xFFFFF800  }
0x132: {  	_ =	swait.ge [sflag:s30], $0x800  }
0x133: {  	[sflag:s30] =	ssyncset.done $0x0  }
0x134: {  	s6 =	simm.s32 $0x0;
	s7 =	simm.s32 $0x9000;
	[sflag:s30] =	ssyncadd.s32 $0xFFFFF800  }
0x135: {  	s8 =	simm.s32 $0xB800;
	s9 =	sand.u32 $0x70, s6;
	s10 =	sand.u32 $0xF00, s6;
	v2 =	vld [tilespmem:s7+$0x0]  }
0x136: {  	s9 =	sor.u32 s9, s10;
	v3 =	vld [tilespmem:s8+$0x0]  }
0x137: {  	v4 =	vld [tilespmem:s9+$0x5880]  }
0x138: {  	v1 =	vld [tilespmem:s9+$0x5800];
	_ =	sdelay $0x1  }
0x139: {  	vm0 =	vlt.f32 v2, $0.0e+00;
	vm1 =	vgt.f32 v2, $0.0e+00  }
0x13a: {  	vm0 =	vmor vm1, vm0  }
0x13b: {  	vm15 =	vlt.f32 v3, $0.0e+00;
	vm2 =	vgt.f32 v3, $0.0e+00;
	v2 =	vnsel vm0, $0x3F800000, v2  }
0x13c: {  	vm1 =	vmor vm2, vm15;
	(erf) = vrcp.f32 v2  }
0x13d: {  	v2 =	vnsel vm1, $0x3F800000, v3  }
0x13e: {  	v3 =	vld.idx.msk [tilespmem:v4+s3+$0x0], $0xffff;
	(erf) = vrcp.f32 v2  }
0x13f: {  	v2 =	vld.idx.msk [tilespmem:v1+s3+$0x0], $0xffff;
	_ =	sdelay $0x4  }
0x140: {  	v2 =	vsub.f32 v3, v2  }
0x141: {  	v3 =	vpop (erf)  }
0x142: {  	v3 =	vmul.f32 v3, v2  }
0x143: {  	v4 =	vpop (erf)  }
0x144: {  	v4 =	vmul.f32 v4, v2;
	v2 =	vnsel vm0, $0x0, v3  }
0x145: {  	v5 =	vsel vm0, $0x3F800000, v0;
	[tilespmem:v1+s2+$0x0] =	vst.idx.add.f32.msk $0xffff, v2  }
0x146: {  	s9 =	simm.s32 $0x10;
	v2 =	vsel vm1, $0x3F800000, v0;
	v3 =	vnsel vm1, $0x0, v4;
	[tilespmem:v1+s19+$0x0] =	vst.idx.add.f32.msk $0xffff, v5  }
.LBB2_10:
0x147: {  	[tilespmem:v1+s20+$0x0] =	vst.idx.add.f32.msk $0xffff, v3;
	s6 =	sadd.s32 $0x20, s6;
	s7 =	sadd.s32 $0x10, s7;
	s8 =	sadd.s32 $0x10, s8  }
0x148: {  	p2 =	sne.s32 s9, $0x7F0;
	s10 =	smov.u32 s9;
	s9 =	sadd.s32 $0x10, s9;
	[tilespmem:v1+s21+$0x0] =	vst.idx.add.f32.msk $0xffff, v2  }
0x149: {  	s10 =	sand.u32 $0x70, s10;
	s11 =	sand.u32 $0xF00, s6;
	v2 =	vld [tilespmem:s7+$0x0]  }
0x14a: {  	s10 =	sor.u32 s10, s11;
	v3 =	vld [tilespmem:s8+$0x0]  }
0x14b: {  	v4 =	vld [tilespmem:s10+$0x5880]  }
0x14c: {  	v1 =	vld [tilespmem:s10+$0x5800];
	_ =	sdelay $0x1  }
0x14d: {  	vm0 =	vlt.f32 v2, $0.0e+00;
	vm1 =	vgt.f32 v2, $0.0e+00  }
0x14e: {  	vm0 =	vmor vm1, vm0;
	vm1 =	vlt.f32 v3, $0.0e+00;
	vm2 =	vgt.f32 v3, $0.0e+00  }
0x14f: {  	vm1 =	vmor vm2, vm1;
	v5 =	vnsel vm0, $0x3F800000, v2  }
0x150: {  	v3 =	vnsel vm1, $0x3F800000, v3;
	v2 =	vsel vm1, $0x3F800000, v0  }
0x151: {  	(erf) = vrcp.f32 v5  }
0x152: {  	v4 =	vld.idx.msk [tilespmem:v4+s3+$0x0], $0xffff;
	(erf) = vrcp.f32 v3  }
0x153: {  	v3 =	vld.idx.msk [tilespmem:v1+s3+$0x0], $0xffff;
	_ =	sdelay $0x5  }
0x154: {  	v3 =	vsub.f32 v4, v3  }
0x155: {  	v4 =	vpop (erf)  }
.Ltmp6:
0x156: {  	v4 =	vmul.f32 v4, v3;
	v5 =	vpop (erf);
	(pc) =	sbr.rel @p2 .LBB2_10-.Ltmp6, $4  }
0x157: {  	v3 =	vmul.f32 v5, v3  }
0x158: {  	v4 =	vnsel vm0, $0x0, v4  }
0x159: {  	v5 =	vsel vm0, $0x3F800000, v0;
	v3 =	vnsel vm1, $0x0, v3;
	[tilespmem:v1+s2+$0x0] =	vst.idx.add.f32.msk $0xffff, v4  }
0x15a: {  	[tilespmem:v1+s19+$0x0] =	vst.idx.add.f32.msk $0xffff, v5  }
0x15b: {  	_ = 	snop  }
.Ltmp7:
0x15c: {  	_ = 	snop;
	(pc) =	sbr.rel @p0 .LBB2_15-.Ltmp7, $3  }
0x15d: {  	_ =	sdelay $0x1  }
0x15e: {  	[tilespmem:v1+s20+$0x0] =	vst.idx.add.f32.msk $0xffff, v3  }
0x15f: {  	[tilespmem:v1+s21+$0x0] =	vst.idx.add.f32.msk $0xffff, v2  }
0x160: {  	_ =	swait.ge [sflag:s28], $0x1000  }
0x161: {  	[sflag:s28] =	ssyncset.done $0x0  }
0x162: {  	[sflag:s28] =	ssyncadd.s32 $0xFFFFF000  }
0x163: {  	_ =	swait.ge [sflag:s28], $0x800  }
0x164: {  	[sflag:s28] =	ssyncset.done $0x0  }
0x165: {  	[sflag:s28] =	ssyncadd.s32 $0xFFFFF800  }
0x166: {  	_ =	swait.ge [sflag:s28], $0x800  }
0x167: {  	[sflag:s28] =	ssyncset.done $0x0  }
0x168: {  	s6 =	simm.s32 $0x0;
	s7 =	simm.s32 $0x9800;
	[sflag:s28] =	ssyncadd.s32 $0xFFFFF800  }
0x169: {  	s8 =	simm.s32 $0xC000;
	s9 =	sand.u32 $0x70, s6;
	s10 =	sand.u32 $0xF00, s6;
	v2 =	vld [tilespmem:s7+$0x0]  }
0x16a: {  	s9 =	sor.u32 s9, s10;
	v3 =	vld [tilespmem:s8+$0x0]  }
0x16b: {  	v4 =	vld [tilespmem:s9+$0x6880]  }
0x16c: {  	v1 =	vld [tilespmem:s9+$0x6800];
	_ =	sdelay $0x1  }
0x16d: {  	vm0 =	vlt.f32 v2, $0.0e+00;
	vm1 =	vgt.f32 v2, $0.0e+00  }
0x16e: {  	vm0 =	vmor vm1, vm0  }
0x16f: {  	vm15 =	vlt.f32 v3, $0.0e+00;
	vm2 =	vgt.f32 v3, $0.0e+00;
	v2 =	vnsel vm0, $0x3F800000, v2  }
0x170: {  	vm1 =	vmor vm2, vm15;
	(erf) = vrcp.f32 v2  }
0x171: {  	v2 =	vnsel vm1, $0x3F800000, v3  }
0x172: {  	v3 =	vld.idx.msk [tilespmem:v4+s3+$0x0], $0xffff;
	(erf) = vrcp.f32 v2  }
0x173: {  	v2 =	vld.idx.msk [tilespmem:v1+s3+$0x0], $0xffff;
	_ =	sdelay $0x4  }
0x174: {  	v2 =	vsub.f32 v3, v2  }
0x175: {  	v3 =	vpop (erf)  }
0x176: {  	v3 =	vmul.f32 v3, v2  }
0x177: {  	v4 =	vpop (erf)  }
0x178: {  	v4 =	vmul.f32 v4, v2;
	v2 =	vnsel vm0, $0x0, v3  }
0x179: {  	v5 =	vsel vm0, $0x3F800000, v0;
	[tilespmem:v1+s2+$0x0] =	vst.idx.add.f32.msk $0xffff, v2  }
0x17a: {  	s9 =	simm.s32 $0x10;
	v2 =	vsel vm1, $0x3F800000, v0;
	v3 =	vnsel vm1, $0x0, v4;
	[tilespmem:v1+s19+$0x0] =	vst.idx.add.f32.msk $0xffff, v5  }
.LBB2_13:
0x17b: {  	[tilespmem:v1+s20+$0x0] =	vst.idx.add.f32.msk $0xffff, v3;
	s6 =	sadd.s32 $0x20, s6;
	s7 =	sadd.s32 $0x10, s7;
	s8 =	sadd.s32 $0x10, s8  }
0x17c: {  	p2 =	seq.s32 s9, $0x7F0;
	s10 =	smov.u32 s9;
	s9 =	sadd.s32 $0x10, s9;
	[tilespmem:v1+s21+$0x0] =	vst.idx.add.f32.msk $0xffff, v2  }
0x17d: {  	s10 =	sand.u32 $0x70, s10;
	s11 =	sand.u32 $0xF00, s6;
	v2 =	vld [tilespmem:s7+$0x0]  }
0x17e: {  	s10 =	sor.u32 s10, s11;
	v3 =	vld [tilespmem:s8+$0x0]  }
0x17f: {  	v4 =	vld [tilespmem:s10+$0x6880]  }
0x180: {  	v1 =	vld [tilespmem:s10+$0x6800];
	_ =	sdelay $0x1  }
0x181: {  	vm0 =	vlt.f32 v2, $0.0e+00;
	vm1 =	vgt.f32 v2, $0.0e+00  }
0x182: {  	vm0 =	vmor vm1, vm0;
	vm1 =	vlt.f32 v3, $0.0e+00;
	vm2 =	vgt.f32 v3, $0.0e+00  }
0x183: {  	vm1 =	vmor vm2, vm1;
	v5 =	vnsel vm0, $0x3F800000, v2  }
0x184: {  	v3 =	vnsel vm1, $0x3F800000, v3;
	v2 =	vsel vm1, $0x3F800000, v0  }
0x185: {  	(erf) = vrcp.f32 v5  }
0x186: {  	v4 =	vld.idx.msk [tilespmem:v4+s3+$0x0], $0xffff;
	(erf) = vrcp.f32 v3  }
0x187: {  	v3 =	vld.idx.msk [tilespmem:v1+s3+$0x0], $0xffff;
	_ =	sdelay $0x5  }
0x188: {  	v3 =	vsub.f32 v4, v3  }
0x189: {  	v4 =	vpop (erf)  }
.Ltmp8:
0x18a: {  	v4 =	vmul.f32 v4, v3;
	v5 =	vpop (erf);
	(pc) =	sbr.rel @!p2 .LBB2_13-.Ltmp8, $4  }
0x18b: {  	v3 =	vmul.f32 v5, v3  }
0x18c: {  	v4 =	vnsel vm0, $0x0, v4  }
0x18d: {  	v5 =	vsel vm0, $0x3F800000, v0;
	v3 =	vnsel vm1, $0x0, v3;
	[tilespmem:v1+s2+$0x0] =	vst.idx.add.f32.msk $0xffff, v4  }
0x18e: {  	[tilespmem:v1+s19+$0x0] =	vst.idx.add.f32.msk $0xffff, v5  }
0x18f: {  	_ = 	snop  }
.Ltmp9:
0x190: {  	_ = 	snop;
	(pc) =	sbr.rel .LBB2_19-.Ltmp9, $3  }
0x191: {  	_ =	sdelay $0x1  }
0x192: {  	[tilespmem:v1+s20+$0x0] =	vst.idx.add.f32.msk $0xffff, v3  }
0x193: {  	[tilespmem:v1+s21+$0x0] =	vst.idx.add.f32.msk $0xffff, v2  }
.LBB2_15:
.Ltmp10:
0x194: {  	(pc) =	sbr.rel @p1 .LBB2_19-.Ltmp10, $1  }
0x195: {  	_ =	sdelay $0x3  }
0x196: {  	s6 =	simm.s32 $0x0;
	s7 =	rddreg [dreg:$0xc];
	s8 =	simm.s32 $0x2800  }
0x197: {  	[tilespmem:s8], [sflag:$0x7] =	stream.linear.gather [hbm4b:s7+s6], $0x400, $0x38;
	[tilespmem:$0x16800] =	vst v63  }
0x198: {  	_ =	swait.ge [sflag:s4], $0x400  }
0x199: {  	[sflag:s4] =	ssyncset.done $0x0  }
0x19a: {  	s7 =	simm.s32 $0x7800;
	s10 =	rddreg [dreg:$0xd];
	[sflag:s4] =	ssyncadd.s32 $0xFFFFFC00  }
0x19b: {  	[tilespmem:s7], [sflag:$0x7] =	stream.linear.gather [hbm4b:s10+s6], $0x200, $0x38;
	[tilespmem:$0x16800] =	vst v63  }
0x19c: {  	_ =	swait.ge [sflag:s4], $0x200  }
0x19d: {  	[sflag:s4] =	ssyncset.done $0x0  }
0x19e: {  	s8 =	simm.s32 $0xA000;
	s9 =	rddreg [dreg:$0xe];
	[sflag:s4] =	ssyncadd.s32 $0xFFFFFE00  }
0x19f: {  	[tilespmem:s8], [sflag:$0x7] =	stream.linear.gather [hbm4b:s9+s6], $0x200, $0x38;
	[tilespmem:$0x16800] =	vst v63  }
0x1a0: {  	_ =	swait.ge [sflag:s4], $0x200  }
0x1a1: {  	[sflag:s4] =	ssyncset.done $0x0  }
0x1a2: {  	[sflag:s4] =	ssyncadd.s32 $0xFFFFFE00  }
0x1a3: {  	s11 =	sand.u32 $0x70, s6;
	s10 =	sand.u32 $0x300, s6;
	v2 =	vld [tilespmem:s7+$0x0]  }
0x1a4: {  	s9 =	sor.u32 s11, s10;
	v3 =	vld [tilespmem:s8+$0x0]  }
0x1a5: {  	v4 =	vld [tilespmem:s9+$0x2880]  }
0x1a6: {  	v1 =	vld [tilespmem:s9+$0x2800];
	_ =	sdelay $0x1  }
0x1a7: {  	vm0 =	vlt.f32 v2, $0.0e+00;
	vm1 =	vgt.f32 v2, $0.0e+00  }
0x1a8: {  	vm0 =	vmor vm1, vm0  }
0x1a9: {  	vm15 =	vlt.f32 v3, $0.0e+00;
	vm2 =	vgt.f32 v3, $0.0e+00;
	v2 =	vnsel vm0, $0x3F800000, v2  }
0x1aa: {  	vm1 =	vmor vm2, vm15;
	(erf) = vrcp.f32 v2  }
0x1ab: {  	v2 =	vnsel vm1, $0x3F800000, v3  }
0x1ac: {  	v3 =	vld.idx.msk [tilespmem:v4+s3+$0x0], $0xffff;
	(erf) = vrcp.f32 v2  }
0x1ad: {  	v2 =	vld.idx.msk [tilespmem:v1+s3+$0x0], $0xffff;
	_ =	sdelay $0x4  }
0x1ae: {  	v2 =	vsub.f32 v3, v2  }
0x1af: {  	v3 =	vpop (erf)  }
0x1b0: {  	v3 =	vmul.f32 v3, v2  }
0x1b1: {  	v4 =	vpop (erf)  }
0x1b2: {  	v4 =	vmul.f32 v4, v2;
	v2 =	vnsel vm0, $0x0, v3  }
0x1b3: {  	v5 =	vsel vm0, $0x3F800000, v0;
	[tilespmem:v1+s2+$0x0] =	vst.idx.add.f32.msk $0xffff, v2  }
0x1b4: {  	s9 =	simm.s32 $0x10;
	v2 =	vsel vm1, $0x3F800000, v0;
	v3 =	vnsel vm1, $0x0, v4;
	[tilespmem:v1+s19+$0x0] =	vst.idx.add.f32.msk $0xffff, v5  }
.LBB2_17:
0x1b5: {  	[tilespmem:v1+s20+$0x0] =	vst.idx.add.f32.msk $0xffff, v3;
	s6 =	sadd.s32 $0x20, s6;
	s7 =	sadd.s32 $0x10, s7;
	s8 =	sadd.s32 $0x10, s8  }
0x1b6: {  	p2 =	sne.s32 s9, $0x1F0;
	s10 =	smov.u32 s9;
	s9 =	sadd.s32 $0x10, s9;
	[tilespmem:v1+s21+$0x0] =	vst.idx.add.f32.msk $0xffff, v2  }
0x1b7: {  	s10 =	sand.u32 $0x70, s10;
	s11 =	sand.u32 $0x300, s6;
	v2 =	vld [tilespmem:s7+$0x0]  }
0x1b8: {  	s10 =	sor.u32 s10, s11;
	v3 =	vld [tilespmem:s8+$0x0]  }
0x1b9: {  	v4 =	vld [tilespmem:s10+$0x2880]  }
0x1ba: {  	v1 =	vld [tilespmem:s10+$0x2800];
	_ =	sdelay $0x1  }
0x1bb: {  	vm0 =	vlt.f32 v2, $0.0e+00;
	vm1 =	vgt.f32 v2, $0.0e+00  }
0x1bc: {  	vm0 =	vmor vm1, vm0;
	vm1 =	vlt.f32 v3, $0.0e+00;
	vm2 =	vgt.f32 v3, $0.0e+00  }
0x1bd: {  	vm1 =	vmor vm2, vm1;
	v5 =	vnsel vm0, $0x3F800000, v2  }
0x1be: {  	v3 =	vnsel vm1, $0x3F800000, v3;
	v2 =	vsel vm1, $0x3F800000, v0  }
0x1bf: {  	(erf) = vrcp.f32 v5  }
0x1c0: {  	v4 =	vld.idx.msk [tilespmem:v4+s3+$0x0], $0xffff;
	(erf) = vrcp.f32 v3  }
0x1c1: {  	v3 =	vld.idx.msk [tilespmem:v1+s3+$0x0], $0xffff;
	_ =	sdelay $0x5  }
0x1c2: {  	v3 =	vsub.f32 v4, v3  }
0x1c3: {  	v4 =	vpop (erf)  }
.Ltmp11:
0x1c4: {  	v4 =	vmul.f32 v4, v3;
	v5 =	vpop (erf);
	(pc) =	sbr.rel @p2 .LBB2_17-.Ltmp11, $4  }
0x1c5: {  	v3 =	vmul.f32 v5, v3  }
0x1c6: {  	v4 =	vnsel vm0, $0x0, v4  }
0x1c7: {  	v5 =	vsel vm0, $0x3F800000, v0;
	v3 =	vnsel vm1, $0x0, v3;
	[tilespmem:v1+s2+$0x0] =	vst.idx.add.f32.msk $0xffff, v4  }
0x1c8: {  	[tilespmem:v1+s19+$0x0] =	vst.idx.add.f32.msk $0xffff, v5  }
.Ltmp12:
0x1c9: {  	_ = 	snop;
	(pc) =	sbr.rel .LBB2_18-.Ltmp12, $1  }
0x1ca: {  	_ =	sdelay $0x3  }
.LBB2_20:
0x1cb: {  	_ =	sfence.sel $0x180000  }
0x1cc: {  	[bflag:$0x0] =	sbarrier.arrive $0xFFFF  }
0x1cd: {  	_ =	strace $0x90000047  }
0x1ce: {  	s0 =	stileid.u32;
	[bflag:$0x2] =	sbarrier.arrive $0xFFFF  }
0x1cf: {  	p0 =	sne.s32 s0, $0x0;
	s0 =	rddreg [dreg:$0x3]  }
0x1d0: {  	s0 =	sadd.s32 @!p0 $0x100000, s0  }
0x1d1: {  	[sflag:s0] =	ssyncadd.tile.s32 @!p0 $0x1;
	_ =	shalt  }
.Lfunc_end2:
_tile_overlayer_lowered:
.L_overlay_start_2:
0x1d2: {  	(tag) =	ssettag $0x2  }
0x1d3: {  	s0 =	rddreg [dreg:$0x0];
	s2 =	stileid.u32  }
0x1d4: {  	s1 =	rddreg [dreg:$0x1];
	p0 =	sne.s32 s2, $0x0  }
0x1d5: {  	s3 =	rddreg [dreg:$0x2];
	[bflag:$0x3] =	sbarrier.arrive $0xFFFF;
	s2 =	simm.s32 @!p0 $0x1C07  }
0x1d6: {  	[timem:s3], [sflag:s2] =	dma.local @!p0 [hbm:s0], s1  }
0x1d7: {  	s0 =	simm.s32 @!p0 $0x7  }
0x1d8: {  	_ =	swait.ge @!p0 [sflag:s0], s1  }
0x1d9: {  	s1 =	ssub.s32 @!p0 $0x0, s1;
	[sflag:s0] =	ssyncset.done @!p0 $0x0  }
0x1da: {  	[sflag:s0] =	ssyncadd.s32 @!p0 s1  }
0x1db: {  	[bflag:$0x3] =	sbarrier.arrive $0xFFFF  }
0x1dc: {  	_ =	shalt  }

</sc_bundles>
